<compile_context>
chip_gen: v7x
topology: tpu7x:2x2x1
jax: 0.10.2.dev20260603
libtpu: 0.0.44.dev20260713+nightly
codegen_flags: <defaults>
</compile_context>

<pallas_src>
import dataclasses
import functools

import jax
import jax.numpy as jnp
from jax.experimental import pallas as pl
from jax.experimental.pallas import tpu as pltpu
from jax.experimental.pallas import tpu_sc as plsc

_LANES = 16
_BLOCK_ROWS = 4096
_UNROLL = 4
_TABLE_PAD = 1024
_SLABS = 1


def _sc_slab(xs, ns, t, ta, tb, mesh, cp):
    n = t.shape[0]
    c = len(xs)

    @functools.partial(
        pl.kernel,
        out_type=jax.ShapeDtypeStruct((4 * n // 128, 128), jnp.float32),
        mesh=mesh,
        compiler_params=cp,
        scratch_types=[
            pltpu.VMEM((_TABLE_PAD,), jnp.float32),
            pltpu.VMEM((_TABLE_PAD,), jnp.float32),
        ],
    )
    def _run(x0, x1, x2, n0, n1, n2, t_hbm, ta_hbm, tb_hbm, o2d, ta_v, tb_v):
        pltpu.sync_copy(ta_hbm, ta_v)
        pltpu.sync_copy(tb_hbm, tb_v)

        def body(t_v, x0v, x1v, x2v, n0v, n1v, n2v, o2v):
            @plsc.parallel_loop(0, _BLOCK_ROWS, step=_LANES, unroll=_UNROLL)
            def _(k):
                sl = pl.ds(k, _LANES)
                mm = k // 128
                r = k - mm * 128
                tv = t_v[sl]
                a = plsc.load_gather(ta_v, [tv])
                b = plsc.load_gather(tb_v, [tv])
                o2v[4 * mm + 0, pl.ds(r, _LANES)] = a * x0v[sl] + b * n0v[sl]
                o2v[4 * mm + 1, pl.ds(r, _LANES)] = a * x1v[sl] + b * n1v[sl]
                o2v[4 * mm + 2, pl.ds(r, _LANES)] = a * x2v[sl] + b * n2v[sl]

        bs = pl.BlockSpec((_BLOCK_ROWS,), lambda i: (i,))
        bso = pl.BlockSpec((4 * _BLOCK_ROWS // 128, 128), lambda i: (i, 0))
        pltpu.emit_pipeline(
            body,
            grid=(n // _BLOCK_ROWS,),
            in_specs=[bs] * (2 * c + 1),
            out_specs=[bso],
            core_axis_name=("c", "s"),
            dimension_semantics=(pltpu.PARALLEL,),
        )(t_hbm, x0, x1, x2, n0, n1, n2, o2d)

    return _run(*xs, *ns, t, ta, tb)


def kernel(original_pos, noise, timesteps, sqrt_alphas_cumprod,
           sqrt_one_minus_alphas_cumprod):
    n, c = original_pos.shape
    ta = jnp.pad(sqrt_alphas_cumprod,
                 (0, _TABLE_PAD - sqrt_alphas_cumprod.shape[0]))
    tb = jnp.pad(sqrt_one_minus_alphas_cumprod,
                 (0, _TABLE_PAD - sqrt_one_minus_alphas_cumprod.shape[0]))

    mesh = plsc.VectorSubcoreMesh(core_axis_name="c", subcore_axis_name="s")
    cp = pltpu.CompilerParams()
    if "needs_layout_passes" in pltpu.CompilerParams.__dataclass_fields__:
        cp = dataclasses.replace(cp, needs_layout_passes=False)

    ns_slab = n // _SLABS
    outs = []
    for s in range(_SLABS):
        r0 = s * ns_slab
        xs = [original_pos[r0:r0 + ns_slab, j] for j in range(c)]
        nz = [noise[r0:r0 + ns_slab, j] for j in range(c)]
        t_s = jax.lax.slice(timesteps, (r0,), (r0 + ns_slab,))
        outs.append(_sc_slab(xs, nz, t_s, ta, tb, mesh, cp))
    o2d = outs[0] if _SLABS == 1 else jnp.concatenate(outs, axis=0)
    o4 = jnp.swapaxes(o2d.reshape(n // 128, 4, 128), 1, 2).reshape(n, 4)
    return o4[:, :c]

# --- scband reference (transcript-rebuilt; emitter-appended) ---
"""Pipeline reference for scband-noise-scheduler-31791347925399 (READ-ONLY COPY).

The authoritative reference and input builder live on the scoring server;
editing this copy changes nothing except your own understanding.
"""

import jax, jax.numpy as jnp
import numpy as np

TIMESTEPS = 1000
BETA_START = 0.0001
BETA_END = 0.02
N = 1048576


def _make_schedule():
    betas = np.linspace(BETA_START, BETA_END, TIMESTEPS, dtype=np.float64)
    alphas = 1.0 - betas
    alphas_cumprod = np.cumprod(alphas)
    sqrt_alphas_cumprod = np.sqrt(alphas_cumprod).astype(np.float32)
    sqrt_one_minus_alphas_cumprod = np.sqrt(1.0 - alphas_cumprod).astype(np.float32)
    return jnp.asarray(sqrt_alphas_cumprod), jnp.asarray(sqrt_one_minus_alphas_cumprod)


def setup_inputs(seed: int = 0) -> dict:
    key = jax.random.key(seed)
    k1, k2, k3 = jax.random.split(key, 3)
    original_pos = jax.random.normal(k1, (N, 3), dtype=jnp.float32)
    noise = jax.random.normal(k2, (N, 3), dtype=jnp.float32)
    timesteps = jax.random.randint(k3, (N,), 0, TIMESTEPS, dtype=jnp.int32)
    sqrt_alphas_cumprod, sqrt_one_minus_alphas_cumprod = _make_schedule()
    return {
        "original_pos": original_pos,
        "noise": noise,
        "timesteps": timesteps,
        "sqrt_alphas_cumprod": sqrt_alphas_cumprod,
        "sqrt_one_minus_alphas_cumprod": sqrt_one_minus_alphas_cumprod,
    }


def reference(original_pos, noise, timesteps, sqrt_alphas_cumprod, sqrt_one_minus_alphas_cumprod):
    # gather schedule values per-row (embedding-style lookup into the schedule tables)
    sqrt_alpha_cumprod_t = jnp.take(sqrt_alphas_cumprod, timesteps, axis=0).reshape(-1, 1)
    sqrt_one_minus_alpha_cumprod_t = jnp.take(sqrt_one_minus_alphas_cumprod, timesteps, axis=0).reshape(-1, 1)
    noisy_pos = sqrt_alpha_cumprod_t * original_pos + sqrt_one_minus_alpha_cumprod_t * noise
    return noisy_pos

if __name__ == "__main__":
    import jax
    _d = setup_inputs()
    print(jax.jit(kernel)(*tuple(_d.values())))

</pallas_src>

<mosaic_0001>
#map = affine_map<(d0, d1) -> (0)>
#map1 = affine_map<(d0, d1) -> (0, 0)>
module attributes {stable_mosaic.version = 14 : i64} {
  func.func @_run(%arg0: i32, %arg1: i32, %arg2: memref<1048576xf32, #tpu.memory_space<hbm>>, %arg3: memref<1048576xf32, #tpu.memory_space<hbm>>, %arg4: memref<1048576xf32, #tpu.memory_space<hbm>>, %arg5: memref<1048576xf32, #tpu.memory_space<hbm>>, %arg6: memref<1048576xf32, #tpu.memory_space<hbm>>, %arg7: memref<1048576xf32, #tpu.memory_space<hbm>>, %arg8: memref<1048576xi32, #tpu.memory_space<hbm>>, %arg9: memref<1024xf32, #tpu.memory_space<hbm>>, %arg10: memref<1024xf32, #tpu.memory_space<hbm>>, %arg11: memref<32768x128xf32, #tpu.memory_space<hbm>>, %arg12: memref<1024xf32, #tpu.memory_space<vmem>>, %arg13: memref<1024xf32, #tpu.memory_space<vmem>>) attributes {dimension_semantics = [#tpu.dimension_semantics<core_parallel>, #tpu.dimension_semantics<subcore_parallel>], iteration_bounds = array<i64: 2, 16>, scalar_prefetch = 0 : i64, scratch_operands = 2 : i64, tpu.core_type = #tpu.core_type<sc_vector_subcore>, window_params = [{transform_indices = #map}, {transform_indices = #map}, {transform_indices = #map}, {transform_indices = #map}, {transform_indices = #map}, {transform_indices = #map}, {transform_indices = #map}, {transform_indices = #map}, {transform_indices = #map}, {transform_indices = #map1}]} {
    "tpu.region"() ({
      %run_scoped3A = tpu.sem_alloc : memref<!tpu.dma_semaphore, #tpu.memory_space<semaphore_mem>>
      tpu.enqueue_dma source(%arg9 : memref<1024xf32, #tpu.memory_space<hbm>>) target(%arg12 : memref<1024xf32, #tpu.memory_space<vmem>>) target_semaphore(%run_scoped3A : memref<!tpu.dma_semaphore, #tpu.memory_space<semaphore_mem>>)
      tpu.wait_dma2 semaphore(%run_scoped3A : memref<!tpu.dma_semaphore, #tpu.memory_space<semaphore_mem>>) src(%arg9 : memref<1024xf32, #tpu.memory_space<hbm>>) dst(%arg12 : memref<1024xf32, #tpu.memory_space<vmem>>)
      tpu.yield
    }) : () -> ()
    "tpu.region"() ({
      %run_scoped3A = tpu.sem_alloc : memref<!tpu.dma_semaphore, #tpu.memory_space<semaphore_mem>>
      tpu.enqueue_dma source(%arg10 : memref<1024xf32, #tpu.memory_space<hbm>>) target(%arg13 : memref<1024xf32, #tpu.memory_space<vmem>>) target_semaphore(%run_scoped3A : memref<!tpu.dma_semaphore, #tpu.memory_space<semaphore_mem>>)
      tpu.wait_dma2 semaphore(%run_scoped3A : memref<!tpu.dma_semaphore, #tpu.memory_space<semaphore_mem>>) src(%arg10 : memref<1024xf32, #tpu.memory_space<hbm>>) dst(%arg13 : memref<1024xf32, #tpu.memory_space<vmem>>)
      tpu.yield
    }) : () -> ()
    %mul3A = arith.constant 1 : i32
    %mul3A_0 = arith.muli %arg1, %mul3A : i32
    %add3A = arith.constant 0 : i32
    %add3A_1 = arith.addi %add3A, %mul3A_0 : i32
    %mul3A_2 = arith.constant 16 : i32
    %mul3A_3 = arith.muli %arg0, %mul3A_2 : i32
    %add3A_4 = arith.addi %add3A_1, %mul3A_3 : i32
    %mul3A_5 = arith.constant 8 : i32
    %mul3A_6 = arith.muli %add3A_4, %mul3A_5 : i32
    "tpu.region"() ({
      %run_scoped3A = memref.alloca() : memref<8192xi32, #tpu.memory_space<vmem>>
      %run_scoped3A_7 = tpu.sem_alloc : memref<2x!tpu.dma_semaphore, #tpu.memory_space<semaphore_mem>>
      %run_scoped3A_8 = memref.alloca() : memref<8192xf32, #tpu.memory_space<vmem>>
      %run_scoped3A_9 = tpu.sem_alloc : memref<2x!tpu.dma_semaphore, #tpu.memory_space<semaphore_mem>>
      %run_scoped3A_10 = memref.alloca() : memref<8192xf32, #tpu.memory_space<vmem>>
      %run_scoped3A_11 = tpu.sem_alloc : memref<2x!tpu.dma_semaphore, #tpu.memory_space<semaphore_mem>>
      %run_scoped3A_12 = memref.alloca() : memref<8192xf32, #tpu.memory_space<vmem>>
      %run_scoped3A_13 = tpu.sem_alloc : memref<2x!tpu.dma_semaphore, #tpu.memory_space<semaphore_mem>>
      %run_scoped3A_14 = memref.alloca() : memref<8192xf32, #tpu.memory_space<vmem>>
      %run_scoped3A_15 = tpu.sem_alloc : memref<2x!tpu.dma_semaphore, #tpu.memory_space<semaphore_mem>>
      %run_scoped3A_16 = memref.alloca() : memref<8192xf32, #tpu.memory_space<vmem>>
      %run_scoped3A_17 = tpu.sem_alloc : memref<2x!tpu.dma_semaphore, #tpu.memory_space<semaphore_mem>>
      %run_scoped3A_18 = memref.alloca() : memref<8192xf32, #tpu.memory_space<vmem>>
      %run_scoped3A_19 = tpu.sem_alloc : memref<2x!tpu.dma_semaphore, #tpu.memory_space<semaphore_mem>>
      %run_scoped3A_20 = memref.alloca() : memref<2x128x128xf32, #tpu.memory_space<vmem>>
      %run_scoped3A_21 = tpu.sem_alloc : memref<2x!tpu.dma_semaphore, #tpu.memory_space<semaphore_mem>>
      %add3A_22 = arith.constant 0 : i32
      %add3A_23 = arith.addi %add3A_22, %mul3A_6 : i32
      %select_n3A = arith.constant true
      %select_n3A_24 = arith.constant 0 : i32
      %select_n3A_25 = arith.constant -1 : i32
      %select_n3A_26 = arith.select %select_n3A, %select_n3A_25, %select_n3A_24 : i32
      %eq3A = arith.constant -1 : i32
      %eq3A_27 = arith.cmpi eq, %select_n3A_26, %eq3A : i32
      %select_n3A_28 = arith.constant 7 : i32
      %select_n3A_29 = arith.select %eq3A_27, %select_n3A_28, %select_n3A_26 : i32
      %add3A_30 = arith.addi %select_n3A_29, %mul3A_6 : i32
      %select_n3A_31 = arith.constant true
      %select_n3A_32 = arith.constant 0 : i32
      %select_n3A_33 = arith.constant 1 : i32
      %select_n3A_34 = arith.select %select_n3A_31, %select_n3A_33, %select_n3A_32 : i32
      %eq3A_35 = arith.constant 8 : i32
      %eq3A_36 = arith.cmpi eq, %select_n3A_34, %eq3A_35 : i32
      %select_n3A_37 = arith.constant 0 : i32
      %select_n3A_38 = arith.select %eq3A_36, %select_n3A_37, %select_n3A_34 : i32
      %add3A_39 = arith.addi %select_n3A_38, %mul3A_6 : i32
      %add3A_40 = arith.constant 1 : i32
      %add3A_41 = arith.addi %select_n3A_38, %add3A_40 : i32
      %select_n3A_42 = arith.constant true
      %select_n3A_43 = arith.select %select_n3A_42, %add3A_41, %select_n3A_38 : i32
      %eq3A_44 = arith.constant 8 : i32
      %eq3A_45 = arith.cmpi eq, %select_n3A_43, %eq3A_44 : i32
      %select_n3A_46 = arith.constant 0 : i32
      %select_n3A_47 = arith.select %eq3A_45, %select_n3A_46, %select_n3A_43 : i32
      %add3A_48 = arith.addi %select_n3A_47, %mul3A_6 : i32
      "tpu.trace_start"() <{level = 10 : i32, message = "ep_initialize_0"}> : () -> ()
      %rem3A = arith.constant 0 : i32
      %rem3A_49 = arith.constant 2 : i32
      %rem3A_50 = arith.remui %rem3A, %rem3A_49 : i32
      %mul3A_51 = arith.constant 4096 : i32
      %mul3A_52 = arith.muli %mul3A_51, %add3A_23 : i32
      %mul3A_53 = arith.constant 4096 : i32
      %mul3A_54 = arith.muli %rem3A_50, %mul3A_53 : i32
      %add3A_55 = arith.constant 0 : i32
      %add3A_56 = arith.addi %mul3A_54, %add3A_55 : i32
      %dma_start3A = tpu.memref_slice %run_scoped3A[%add3A_56] : memref<8192xi32, #tpu.memory_space<vmem>> -> memref<4096xi32, #tpu.memory_space<vmem>>
      %dma_start3A_57 = tpu.memref_slice %arg8[%mul3A_52] : memref<1048576xi32, #tpu.memory_space<hbm>> -> memref<4096xi32, #tpu.memory_space<hbm>>
      %dma_start3A_58 = tpu.memref_slice %run_scoped3A_7[%rem3A_50] : memref<2x!tpu.dma_semaphore, #tpu.memory_space<semaphore_mem>> -> memref<1x!tpu.dma_semaphore, #tpu.memory_space<semaphore_mem>>
      %dma_start3A_59 = tpu.memref_squeeze %dma_start3A_58 : memref<1x!tpu.dma_semaphore, #tpu.memory_space<semaphore_mem>> -> memref<!tpu.dma_semaphore, #tpu.memory_space<semaphore_mem>>
      %dma_start3A_60 = tpu.memref_slice %run_scoped3A[%add3A_56] : memref<8192xi32, #tpu.memory_space<vmem>> -> memref<4096xi32, #tpu.memory_space<vmem>>
      %dma_start3A_61 = tpu.memref_slice %arg8[%mul3A_52] : memref<1048576xi32, #tpu.memory_space<hbm>> -> memref<4096xi32, #tpu.memory_space<hbm>>
      tpu.enqueue_dma source(%dma_start3A_61 : memref<4096xi32, #tpu.memory_space<hbm>>) target(%dma_start3A_60 : memref<4096xi32, #tpu.memory_space<vmem>>) target_semaphore(%dma_start3A_59 : memref<!tpu.dma_semaphore, #tpu.memory_space<semaphore_mem>>)
      %add3A_62 = arith.constant 0 : i32
      %add3A_63 = arith.constant 1 : i32
      %add3A_64 = arith.addi %add3A_62, %add3A_63 : i32
      %select_n3A_65 = arith.constant true
      %select_n3A_66 = arith.constant 0 : i32
      %select_n3A_67 = arith.select %select_n3A_65, %add3A_64, %select_n3A_66 : i32
      %rem3A_68 = arith.constant 0 : i32
      %rem3A_69 = arith.constant 2 : i32
      %rem3A_70 = arith.remui %rem3A_68, %rem3A_69 : i32
      %mul3A_71 = arith.constant 4096 : i32
      %mul3A_72 = arith.muli %mul3A_71, %add3A_23 : i32
      %mul3A_73 = arith.constant 4096 : i32
      %mul3A_74 = arith.muli %rem3A_70, %mul3A_73 : i32
      %add3A_75 = arith.constant 0 : i32
      %add3A_76 = arith.addi %mul3A_74, %add3A_75 : i32
      %dma_start3A_77 = tpu.memref_slice %run_scoped3A_8[%add3A_76] : memref<8192xf32, #tpu.memory_space<vmem>> -> memref<4096xf32, #tpu.memory_space<vmem>>
      %dma_start3A_78 = tpu.memref_slice %arg2[%mul3A_72] : memref<1048576xf32, #tpu.memory_space<hbm>> -> memref<4096xf32, #tpu.memory_space<hbm>>
      %dma_start3A_79 = tpu.memref_slice %run_scoped3A_9[%rem3A_70] : memref<2x!tpu.dma_semaphore, #tpu.memory_space<semaphore_mem>> -> memref<1x!tpu.dma_semaphore, #tpu.memory_space<semaphore_mem>>
      %dma_start3A_80 = tpu.memref_squeeze %dma_start3A_79 : memref<1x!tpu.dma_semaphore, #tpu.memory_space<semaphore_mem>> -> memref<!tpu.dma_semaphore, #tpu.memory_space<semaphore_mem>>
      %dma_start3A_81 = tpu.memref_slice %run_scoped3A_8[%add3A_76] : memref<8192xf32, #tpu.memory_space<vmem>> -> memref<4096xf32, #tpu.memory_space<vmem>>
      %dma_start3A_82 = tpu.memref_slice %arg2[%mul3A_72] : memref<1048576xf32, #tpu.memory_space<hbm>> -> memref<4096xf32, #tpu.memory_space<hbm>>
      tpu.enqueue_dma source(%dma_start3A_82 : memref<4096xf32, #tpu.memory_space<hbm>>) target(%dma_start3A_81 : memref<4096xf32, #tpu.memory_space<vmem>>) target_semaphore(%dma_start3A_80 : memref<!tpu.dma_semaphore, #tpu.memory_space<semaphore_mem>>)
      %add3A_83 = arith.constant 0 : i32
      %add3A_84 = arith.constant 1 : i32
      %add3A_85 = arith.addi %add3A_83, %add3A_84 : i32
      %select_n3A_86 = arith.constant true
      %select_n3A_87 = arith.constant 0 : i32
      %select_n3A_88 = arith.select %select_n3A_86, %add3A_85, %select_n3A_87 : i32
      %rem3A_89 = arith.constant 0 : i32
      %rem3A_90 = arith.constant 2 : i32
      %rem3A_91 = arith.remui %rem3A_89, %rem3A_90 : i32
      %mul3A_92 = arith.constant 4096 : i32
      %mul3A_93 = arith.muli %mul3A_92, %add3A_23 : i32
      %mul3A_94 = arith.constant 4096 : i32
      %mul3A_95 = arith.muli %rem3A_91, %mul3A_94 : i32
      %add3A_96 = arith.constant 0 : i32
      %add3A_97 = arith.addi %mul3A_95, %add3A_96 : i32
      %dma_start3A_98 = tpu.memref_slice %run_scoped3A_10[%add3A_97] : memref<8192xf32, #tpu.memory_space<vmem>> -> memref<4096xf32, #tpu.memory_space<vmem>>
      %dma_start3A_99 = tpu.memref_slice %arg3[%mul3A_93] : memref<1048576xf32, #tpu.memory_space<hbm>> -> memref<4096xf32, #tpu.memory_space<hbm>>
      %dma_start3A_100 = tpu.memref_slice %run_scoped3A_11[%rem3A_91] : memref<2x!tpu.dma_semaphore, #tpu.memory_space<semaphore_mem>> -> memref<1x!tpu.dma_semaphore, #tpu.memory_space<semaphore_mem>>
      %dma_start3A_101 = tpu.memref_squeeze %dma_start3A_100 : memref<1x!tpu.dma_semaphore, #tpu.memory_space<semaphore_mem>> -> memref<!tpu.dma_semaphore, #tpu.memory_space<semaphore_mem>>
      %dma_start3A_102 = tpu.memref_slice %run_scoped3A_10[%add3A_97] : memref<8192xf32, #tpu.memory_space<vmem>> -> memref<4096xf32, #tpu.memory_space<vmem>>
      %dma_start3A_103 = tpu.memref_slice %arg3[%mul3A_93] : memref<1048576xf32, #tpu.memory_space<hbm>> -> memref<4096xf32, #tpu.memory_space<hbm>>
      tpu.enqueue_dma source(%dma_start3A_103 : memref<4096xf32, #tpu.memory_space<hbm>>) target(%dma_start3A_102 : memref<4096xf32, #tpu.memory_space<vmem>>) target_semaphore(%dma_start3A_101 : memref<!tpu.dma_semaphore, #tpu.memory_space<semaphore_mem>>)
      %add3A_104 = arith.constant 0 : i32
      %add3A_105 = arith.constant 1 : i32
      %add3A_106 = arith.addi %add3A_104, %add3A_105 : i32
      %select_n3A_107 = arith.constant true
      %select_n3A_108 = arith.constant 0 : i32
      %select_n3A_109 = arith.select %select_n3A_107, %add3A_106, %select_n3A_108 : i32
      %rem3A_110 = arith.constant 0 : i32
      %rem3A_111 = arith.constant 2 : i32
      %rem3A_112 = arith.remui %rem3A_110, %rem3A_111 : i32
      %mul3A_113 = arith.constant 4096 : i32
      %mul3A_114 = arith.muli %mul3A_113, %add3A_23 : i32
      %mul3A_115 = arith.constant 4096 : i32
      %mul3A_116 = arith.muli %rem3A_112, %mul3A_115 : i32
      %add3A_117 = arith.constant 0 : i32
      %add3A_118 = arith.addi %mul3A_116, %add3A_117 : i32
      %dma_start3A_119 = tpu.memref_slice %run_scoped3A_12[%add3A_118] : memref<8192xf32, #tpu.memory_space<vmem>> -> memref<4096xf32, #tpu.memory_space<vmem>>
      %dma_start3A_120 = tpu.memref_slice %arg4[%mul3A_114] : memref<1048576xf32, #tpu.memory_space<hbm>> -> memref<4096xf32, #tpu.memory_space<hbm>>
      %dma_start3A_121 = tpu.memref_slice %run_scoped3A_13[%rem3A_112] : memref<2x!tpu.dma_semaphore, #tpu.memory_space<semaphore_mem>> -> memref<1x!tpu.dma_semaphore, #tpu.memory_space<semaphore_mem>>
      %dma_start3A_122 = tpu.memref_squeeze %dma_start3A_121 : memref<1x!tpu.dma_semaphore, #tpu.memory_space<semaphore_mem>> -> memref<!tpu.dma_semaphore, #tpu.memory_space<semaphore_mem>>
      %dma_start3A_123 = tpu.memref_slice %run_scoped3A_12[%add3A_118] : memref<8192xf32, #tpu.memory_space<vmem>> -> memref<4096xf32, #tpu.memory_space<vmem>>
      %dma_start3A_124 = tpu.memref_slice %arg4[%mul3A_114] : memref<1048576xf32, #tpu.memory_space<hbm>> -> memref<4096xf32, #tpu.memory_space<hbm>>
      tpu.enqueue_dma source(%dma_start3A_124 : memref<4096xf32, #tpu.memory_space<hbm>>) target(%dma_start3A_123 : memref<4096xf32, #tpu.memory_space<vmem>>) target_semaphore(%dma_start3A_122 : memref<!tpu.dma_semaphore, #tpu.memory_space<semaphore_mem>>)
      %add3A_125 = arith.constant 0 : i32
      %add3A_126 = arith.constant 1 : i32
      %add3A_127 = arith.addi %add3A_125, %add3A_126 : i32
      %select_n3A_128 = arith.constant true
      %select_n3A_129 = arith.constant 0 : i32
      %select_n3A_130 = arith.select %select_n3A_128, %add3A_127, %select_n3A_129 : i32
      %rem3A_131 = arith.constant 0 : i32
      %rem3A_132 = arith.constant 2 : i32
      %rem3A_133 = arith.remui %rem3A_131, %rem3A_132 : i32
      %mul3A_134 = arith.constant 4096 : i32
      %mul3A_135 = arith.muli %mul3A_134, %add3A_23 : i32
      %mul3A_136 = arith.constant 4096 : i32
      %mul3A_137 = arith.muli %rem3A_133, %mul3A_136 : i32
      %add3A_138 = arith.constant 0 : i32
      %add3A_139 = arith.addi %mul3A_137, %add3A_138 : i32
      %dma_start3A_140 = tpu.memref_slice %run_scoped3A_14[%add3A_139] : memref<8192xf32, #tpu.memory_space<vmem>> -> memref<4096xf32, #tpu.memory_space<vmem>>
      %dma_start3A_141 = tpu.memref_slice %arg5[%mul3A_135] : memref<1048576xf32, #tpu.memory_space<hbm>> -> memref<4096xf32, #tpu.memory_space<hbm>>
      %dma_start3A_142 = tpu.memref_slice %run_scoped3A_15[%rem3A_133] : memref<2x!tpu.dma_semaphore, #tpu.memory_space<semaphore_mem>> -> memref<1x!tpu.dma_semaphore, #tpu.memory_space<semaphore_mem>>
      %dma_start3A_143 = tpu.memref_squeeze %dma_start3A_142 : memref<1x!tpu.dma_semaphore, #tpu.memory_space<semaphore_mem>> -> memref<!tpu.dma_semaphore, #tpu.memory_space<semaphore_mem>>
      %dma_start3A_144 = tpu.memref_slice %run_scoped3A_14[%add3A_139] : memref<8192xf32, #tpu.memory_space<vmem>> -> memref<4096xf32, #tpu.memory_space<vmem>>
      %dma_start3A_145 = tpu.memref_slice %arg5[%mul3A_135] : memref<1048576xf32, #tpu.memory_space<hbm>> -> memref<4096xf32, #tpu.memory_space<hbm>>
      tpu.enqueue_dma source(%dma_start3A_145 : memref<4096xf32, #tpu.memory_space<hbm>>) target(%dma_start3A_144 : memref<4096xf32, #tpu.memory_space<vmem>>) target_semaphore(%dma_start3A_143 : memref<!tpu.dma_semaphore, #tpu.memory_space<semaphore_mem>>)
      %add3A_146 = arith.constant 0 : i32
      %add3A_147 = arith.constant 1 : i32
      %add3A_148 = arith.addi %add3A_146, %add3A_147 : i32
      %select_n3A_149 = arith.constant true
      %select_n3A_150 = arith.constant 0 : i32
      %select_n3A_151 = arith.select %select_n3A_149, %add3A_148, %select_n3A_150 : i32
      %rem3A_152 = arith.constant 0 : i32
      %rem3A_153 = arith.constant 2 : i32
      %rem3A_154 = arith.remui %rem3A_152, %rem3A_153 : i32
      %mul3A_155 = arith.constant 4096 : i32
      %mul3A_156 = arith.muli %mul3A_155, %add3A_23 : i32
      %mul3A_157 = arith.constant 4096 : i32
      %mul3A_158 = arith.muli %rem3A_154, %mul3A_157 : i32
      %add3A_159 = arith.constant 0 : i32
      %add3A_160 = arith.addi %mul3A_158, %add3A_159 : i32
      %dma_start3A_161 = tpu.memref_slice %run_scoped3A_16[%add3A_160] : memref<8192xf32, #tpu.memory_space<vmem>> -> memref<4096xf32, #tpu.memory_space<vmem>>
      %dma_start3A_162 = tpu.memref_slice %arg6[%mul3A_156] : memref<1048576xf32, #tpu.memory_space<hbm>> -> memref<4096xf32, #tpu.memory_space<hbm>>
      %dma_start3A_163 = tpu.memref_slice %run_scoped3A_17[%rem3A_154] : memref<2x!tpu.dma_semaphore, #tpu.memory_space<semaphore_mem>> -> memref<1x!tpu.dma_semaphore, #tpu.memory_space<semaphore_mem>>
      %dma_start3A_164 = tpu.memref_squeeze %dma_start3A_163 : memref<1x!tpu.dma_semaphore, #tpu.memory_space<semaphore_mem>> -> memref<!tpu.dma_semaphore, #tpu.memory_space<semaphore_mem>>
      %dma_start3A_165 = tpu.memref_slice %run_scoped3A_16[%add3A_160] : memref<8192xf32, #tpu.memory_space<vmem>> -> memref<4096xf32, #tpu.memory_space<vmem>>
      %dma_start3A_166 = tpu.memref_slice %arg6[%mul3A_156] : memref<1048576xf32, #tpu.memory_space<hbm>> -> memref<4096xf32, #tpu.memory_space<hbm>>
      tpu.enqueue_dma source(%dma_start3A_166 : memref<4096xf32, #tpu.memory_space<hbm>>) target(%dma_start3A_165 : memref<4096xf32, #tpu.memory_space<vmem>>) target_semaphore(%dma_start3A_164 : memref<!tpu.dma_semaphore, #tpu.memory_space<semaphore_mem>>)
      %add3A_167 = arith.constant 0 : i32
      %add3A_168 = arith.constant 1 : i32
      %add3A_169 = arith.addi %add3A_167, %add3A_168 : i32
      %select_n3A_170 = arith.constant true
      %select_n3A_171 = arith.constant 0 : i32
      %select_n3A_172 = arith.select %select_n3A_170, %add3A_169, %select_n3A_171 : i32
      %rem3A_173 = arith.constant 0 : i32
      %rem3A_174 = arith.constant 2 : i32
      %rem3A_175 = arith.remui %rem3A_173, %rem3A_174 : i32
      %mul3A_176 = arith.constant 4096 : i32
      %mul3A_177 = arith.muli %mul3A_176, %add3A_23 : i32
      %mul3A_178 = arith.constant 4096 : i32
      %mul3A_179 = arith.muli %rem3A_175, %mul3A_178 : i32
      %add3A_180 = arith.constant 0 : i32
      %add3A_181 = arith.addi %mul3A_179, %add3A_180 : i32
      %dma_start3A_182 = tpu.memref_slice %run_scoped3A_18[%add3A_181] : memref<8192xf32, #tpu.memory_space<vmem>> -> memref<4096xf32, #tpu.memory_space<vmem>>
      %dma_start3A_183 = tpu.memref_slice %arg7[%mul3A_177] : memref<1048576xf32, #tpu.memory_space<hbm>> -> memref<4096xf32, #tpu.memory_space<hbm>>
      %dma_start3A_184 = tpu.memref_slice %run_scoped3A_19[%rem3A_175] : memref<2x!tpu.dma_semaphore, #tpu.memory_space<semaphore_mem>> -> memref<1x!tpu.dma_semaphore, #tpu.memory_space<semaphore_mem>>
      %dma_start3A_185 = tpu.memref_squeeze %dma_start3A_184 : memref<1x!tpu.dma_semaphore, #tpu.memory_space<semaphore_mem>> -> memref<!tpu.dma_semaphore, #tpu.memory_space<semaphore_mem>>
      %dma_start3A_186 = tpu.memref_slice %run_scoped3A_18[%add3A_181] : memref<8192xf32, #tpu.memory_space<vmem>> -> memref<4096xf32, #tpu.memory_space<vmem>>
      %dma_start3A_187 = tpu.memref_slice %arg7[%mul3A_177] : memref<1048576xf32, #tpu.memory_space<hbm>> -> memref<4096xf32, #tpu.memory_space<hbm>>
      tpu.enqueue_dma source(%dma_start3A_187 : memref<4096xf32, #tpu.memory_space<hbm>>) target(%dma_start3A_186 : memref<4096xf32, #tpu.memory_space<vmem>>) target_semaphore(%dma_start3A_185 : memref<!tpu.dma_semaphore, #tpu.memory_space<semaphore_mem>>)
      %add3A_188 = arith.constant 0 : i32
      %add3A_189 = arith.constant 1 : i32
      %add3A_190 = arith.addi %add3A_188, %add3A_189 : i32
      %select_n3A_191 = arith.constant true
      %select_n3A_192 = arith.constant 0 : i32
      %select_n3A_193 = arith.select %select_n3A_191, %add3A_190, %select_n3A_192 : i32
      "tpu.trace_stop"() : () -> ()
      %scan3A = arith.constant 0 : i32
      %scan3A_194 = arith.constant 0 : i32
      %scan3A_195 = arith.constant 0 : i32
      %scan3A_196 = arith.constant 0 : i32
      %scan3A_197 = arith.constant 0 : i32
      %scan3A_198 = arith.constant 0 : i32
      %scan3A_199 = arith.constant 0 : i32
      %scan3A_200 = arith.constant 0 : i32
      %scan3A_201 = arith.constant 0 : i32
      %scan3A_202 = arith.constant 0 : i32
      %scan3A_203 = arith.constant 0 : i32
      %scan3A_204 = arith.constant 8 : i32
      %scan3A_205 = arith.addi %scan3A_203, %scan3A_204 : i32
      %scan3A_206 = arith.constant 1 : i32
      %scan3A_207:17 = scf.for %scan3A_261 = %scan3A_203 to %scan3A_205 step %scan3A_206 iter_args(%scan3A_262 = %select_n3A_67, %scan3A_263 = %scan3A, %scan3A_264 = %select_n3A_88, %scan3A_265 = %scan3A_194, %scan3A_266 = %select_n3A_109, %scan3A_267 = %scan3A_195, %scan3A_268 = %select_n3A_130, %scan3A_269 = %scan3A_196, %scan3A_270 = %select_n3A_151, %scan3A_271 = %scan3A_197, %scan3A_272 = %select_n3A_172, %scan3A_273 = %scan3A_198, %scan3A_274 = %select_n3A_193, %scan3A_275 = %scan3A_199, %scan3A_276 = %scan3A_200, %scan3A_277 = %scan3A_201, %scan3A_278 = %scan3A_202) -> (i32, i32, i32, i32, i32, i32, i32, i32, i32, i32, i32, i32, i32, i32, i32, i32, i32)  : i32 {
        %eq3A_279 = arith.constant 0 : i32
        %eq3A_280 = arith.cmpi eq, %scan3A_261, %eq3A_279 : i32
        %eq3A_281 = arith.constant 7 : i32
        %eq3A_282 = arith.cmpi eq, %scan3A_261, %eq3A_281 : i32
        %add3A_283 = arith.addi %scan3A_278, %mul3A_6 : i32
        %sub3A_284 = arith.constant 1 : i32
        %sub3A_285 = arith.subi %scan3A_278, %sub3A_284 : i32
        %select_n3A_286 = arith.constant true
        %select_n3A_287 = arith.select %select_n3A_286, %sub3A_285, %scan3A_278 : i32
        %eq3A_288 = arith.constant -1 : i32
        %eq3A_289 = arith.cmpi eq, %select_n3A_287, %eq3A_288 : i32
        %select_n3A_290 = arith.constant 7 : i32
        %select_n3A_291 = arith.select %eq3A_289, %select_n3A_290, %select_n3A_287 : i32
        %add3A_292 = arith.addi %select_n3A_291, %mul3A_6 : i32
        %add3A_293 = arith.constant 1 : i32
        %add3A_294 = arith.addi %scan3A_278, %add3A_293 : i32
        %select_n3A_295 = arith.constant true
        %select_n3A_296 = arith.select %select_n3A_295, %add3A_294, %scan3A_278 : i32
        %eq3A_297 = arith.constant 8 : i32
        %eq3A_298 = arith.cmpi eq, %select_n3A_296, %eq3A_297 : i32
        %select_n3A_299 = arith.constant 0 : i32
        %select_n3A_300 = arith.select %eq3A_298, %select_n3A_299, %select_n3A_296 : i32
        %add3A_301 = arith.addi %select_n3A_300, %mul3A_6 : i32
        %add3A_302 = arith.constant 1 : i32
        %add3A_303 = arith.addi %select_n3A_300, %add3A_302 : i32
        %select_n3A_304 = arith.constant true
        %select_n3A_305 = arith.select %select_n3A_304, %add3A_303, %select_n3A_300 : i32
        %eq3A_306 = arith.constant 8 : i32
        %eq3A_307 = arith.cmpi eq, %select_n3A_305, %eq3A_306 : i32
        %select_n3A_308 = arith.constant 0 : i32
        %select_n3A_309 = arith.select %eq3A_307, %select_n3A_308, %select_n3A_305 : i32
        %add3A_310 = arith.addi %select_n3A_309, %mul3A_6 : i32
        %ne3A = arith.cmpi ne, %add3A_283, %add3A_301 : i32
        %or3A = arith.constant false
        %or3A_311 = arith.ori %or3A, %ne3A : i1
        %ge3A = arith.constant 7 : i32
        %ge3A_312 = arith.cmpi sge, %scan3A_261, %ge3A : i32
        %not3A = arith.constant true
        %not3A_313 = arith.xori %ge3A_312, %not3A : i1
        %and3A = arith.andi %or3A_311, %not3A_313 : i1
        %convert_element_type3A = arith.extui %and3A : i1 to i32
        %cond3A = arith.constant 0 : i32
        %cond3A_314 = arith.cmpi ne, %convert_element_type3A, %cond3A : i32
        scf.if %cond3A_314 {
          "tpu.trace_start"() <{level = 10 : i32, message = "ep_copy_in"}> : () -> ()
          %rem3A_743 = arith.constant 2 : i32
          %rem3A_744 = arith.remui %scan3A_262, %rem3A_743 : i32
          %mul3A_745 = arith.constant 4096 : i32
          %mul3A_746 = arith.muli %mul3A_745, %add3A_301 : i32
          %mul3A_747 = arith.constant 4096 : i32
          %mul3A_748 = arith.muli %rem3A_744, %mul3A_747 : i32
          %add3A_749 = arith.constant 0 : i32
          %add3A_750 = arith.addi %mul3A_748, %add3A_749 : i32
          %dma_start3A_751 = tpu.memref_slice %run_scoped3A[%add3A_750] : memref<8192xi32, #tpu.memory_space<vmem>> -> memref<4096xi32, #tpu.memory_space<vmem>>
          %dma_start3A_752 = tpu.memref_slice %arg8[%mul3A_746] : memref<1048576xi32, #tpu.memory_space<hbm>> -> memref<4096xi32, #tpu.memory_space<hbm>>
          %dma_start3A_753 = tpu.memref_slice %run_scoped3A_7[%rem3A_744] : memref<2x!tpu.dma_semaphore, #tpu.memory_space<semaphore_mem>> -> memref<1x!tpu.dma_semaphore, #tpu.memory_space<semaphore_mem>>
          %dma_start3A_754 = tpu.memref_squeeze %dma_start3A_753 : memref<1x!tpu.dma_semaphore, #tpu.memory_space<semaphore_mem>> -> memref<!tpu.dma_semaphore, #tpu.memory_space<semaphore_mem>>
          %dma_start3A_755 = tpu.memref_slice %run_scoped3A[%add3A_750] : memref<8192xi32, #tpu.memory_space<vmem>> -> memref<4096xi32, #tpu.memory_space<vmem>>
          %dma_start3A_756 = tpu.memref_slice %arg8[%mul3A_746] : memref<1048576xi32, #tpu.memory_space<hbm>> -> memref<4096xi32, #tpu.memory_space<hbm>>
          tpu.enqueue_dma source(%dma_start3A_756 : memref<4096xi32, #tpu.memory_space<hbm>>) target(%dma_start3A_755 : memref<4096xi32, #tpu.memory_space<vmem>>) target_semaphore(%dma_start3A_754 : memref<!tpu.dma_semaphore, #tpu.memory_space<semaphore_mem>>)
          "tpu.trace_stop"() : () -> ()
        } else {
        }
        %and3A_315 = arith.constant true
        %and3A_316 = arith.andi %and3A, %and3A_315 : i1
        %add3A_317 = arith.constant 1 : i32
        %add3A_318 = arith.addi %scan3A_262, %add3A_317 : i32
        %select_n3A_319 = arith.select %and3A_316, %add3A_318, %scan3A_262 : i32
        %ne3A_320 = arith.cmpi ne, %add3A_283, %add3A_301 : i32
        %or3A_321 = arith.constant false
        %or3A_322 = arith.ori %or3A_321, %ne3A_320 : i1
        %ge3A_323 = arith.constant 7 : i32
        %ge3A_324 = arith.cmpi sge, %scan3A_261, %ge3A_323 : i32
        %not3A_325 = arith.constant true
        %not3A_326 = arith.xori %ge3A_324, %not3A_325 : i1
        %and3A_327 = arith.andi %or3A_322, %not3A_326 : i1
        %convert_element_type3A_328 = arith.extui %and3A_327 : i1 to i32
        %cond3A_329 = arith.constant 0 : i32
        %cond3A_330 = arith.cmpi ne, %convert_element_type3A_328, %cond3A_329 : i32
        scf.if %cond3A_330 {
          "tpu.trace_start"() <{level = 10 : i32, message = "ep_copy_in"}> : () -> ()
          %rem3A_743 = arith.constant 2 : i32
          %rem3A_744 = arith.remui %scan3A_264, %rem3A_743 : i32
          %mul3A_745 = arith.constant 4096 : i32
          %mul3A_746 = arith.muli %mul3A_745, %add3A_301 : i32
          %mul3A_747 = arith.constant 4096 : i32
          %mul3A_748 = arith.muli %rem3A_744, %mul3A_747 : i32
          %add3A_749 = arith.constant 0 : i32
          %add3A_750 = arith.addi %mul3A_748, %add3A_749 : i32
          %dma_start3A_751 = tpu.memref_slice %run_scoped3A_8[%add3A_750] : memref<8192xf32, #tpu.memory_space<vmem>> -> memref<4096xf32, #tpu.memory_space<vmem>>
          %dma_start3A_752 = tpu.memref_slice %arg2[%mul3A_746] : memref<1048576xf32, #tpu.memory_space<hbm>> -> memref<4096xf32, #tpu.memory_space<hbm>>
          %dma_start3A_753 = tpu.memref_slice %run_scoped3A_9[%rem3A_744] : memref<2x!tpu.dma_semaphore, #tpu.memory_space<semaphore_mem>> -> memref<1x!tpu.dma_semaphore, #tpu.memory_space<semaphore_mem>>
          %dma_start3A_754 = tpu.memref_squeeze %dma_start3A_753 : memref<1x!tpu.dma_semaphore, #tpu.memory_space<semaphore_mem>> -> memref<!tpu.dma_semaphore, #tpu.memory_space<semaphore_mem>>
          %dma_start3A_755 = tpu.memref_slice %run_scoped3A_8[%add3A_750] : memref<8192xf32, #tpu.memory_space<vmem>> -> memref<4096xf32, #tpu.memory_space<vmem>>
          %dma_start3A_756 = tpu.memref_slice %arg2[%mul3A_746] : memref<1048576xf32, #tpu.memory_space<hbm>> -> memref<4096xf32, #tpu.memory_space<hbm>>
          tpu.enqueue_dma source(%dma_start3A_756 : memref<4096xf32, #tpu.memory_space<hbm>>) target(%dma_start3A_755 : memref<4096xf32, #tpu.memory_space<vmem>>) target_semaphore(%dma_start3A_754 : memref<!tpu.dma_semaphore, #tpu.memory_space<semaphore_mem>>)
          "tpu.trace_stop"() : () -> ()
        } else {
        }
        %and3A_331 = arith.constant true
        %and3A_332 = arith.andi %and3A_327, %and3A_331 : i1
        %add3A_333 = arith.constant 1 : i32
        %add3A_334 = arith.addi %scan3A_264, %add3A_333 : i32
        %select_n3A_335 = arith.select %and3A_332, %add3A_334, %scan3A_264 : i32
        %ne3A_336 = arith.cmpi ne, %add3A_283, %add3A_301 : i32
        %or3A_337 = arith.constant false
        %or3A_338 = arith.ori %or3A_337, %ne3A_336 : i1
        %ge3A_339 = arith.constant 7 : i32
        %ge3A_340 = arith.cmpi sge, %scan3A_261, %ge3A_339 : i32
        %not3A_341 = arith.constant true
        %not3A_342 = arith.xori %ge3A_340, %not3A_341 : i1
        %and3A_343 = arith.andi %or3A_338, %not3A_342 : i1
        %convert_element_type3A_344 = arith.extui %and3A_343 : i1 to i32
        %cond3A_345 = arith.constant 0 : i32
        %cond3A_346 = arith.cmpi ne, %convert_element_type3A_344, %cond3A_345 : i32
        scf.if %cond3A_346 {
          "tpu.trace_start"() <{level = 10 : i32, message = "ep_copy_in"}> : () -> ()
          %rem3A_743 = arith.constant 2 : i32
          %rem3A_744 = arith.remui %scan3A_266, %rem3A_743 : i32
          %mul3A_745 = arith.constant 4096 : i32
          %mul3A_746 = arith.muli %mul3A_745, %add3A_301 : i32
          %mul3A_747 = arith.constant 4096 : i32
          %mul3A_748 = arith.muli %rem3A_744, %mul3A_747 : i32
          %add3A_749 = arith.constant 0 : i32
          %add3A_750 = arith.addi %mul3A_748, %add3A_749 : i32
          %dma_start3A_751 = tpu.memref_slice %run_scoped3A_10[%add3A_750] : memref<8192xf32, #tpu.memory_space<vmem>> -> memref<4096xf32, #tpu.memory_space<vmem>>
          %dma_start3A_752 = tpu.memref_slice %arg3[%mul3A_746] : memref<1048576xf32, #tpu.memory_space<hbm>> -> memref<4096xf32, #tpu.memory_space<hbm>>
          %dma_start3A_753 = tpu.memref_slice %run_scoped3A_11[%rem3A_744] : memref<2x!tpu.dma_semaphore, #tpu.memory_space<semaphore_mem>> -> memref<1x!tpu.dma_semaphore, #tpu.memory_space<semaphore_mem>>
          %dma_start3A_754 = tpu.memref_squeeze %dma_start3A_753 : memref<1x!tpu.dma_semaphore, #tpu.memory_space<semaphore_mem>> -> memref<!tpu.dma_semaphore, #tpu.memory_space<semaphore_mem>>
          %dma_start3A_755 = tpu.memref_slice %run_scoped3A_10[%add3A_750] : memref<8192xf32, #tpu.memory_space<vmem>> -> memref<4096xf32, #tpu.memory_space<vmem>>
          %dma_start3A_756 = tpu.memref_slice %arg3[%mul3A_746] : memref<1048576xf32, #tpu.memory_space<hbm>> -> memref<4096xf32, #tpu.memory_space<hbm>>
          tpu.enqueue_dma source(%dma_start3A_756 : memref<4096xf32, #tpu.memory_space<hbm>>) target(%dma_start3A_755 : memref<4096xf32, #tpu.memory_space<vmem>>) target_semaphore(%dma_start3A_754 : memref<!tpu.dma_semaphore, #tpu.memory_space<semaphore_mem>>)
          "tpu.trace_stop"() : () -> ()
        } else {
        }
        %and3A_347 = arith.constant true
        %and3A_348 = arith.andi %and3A_343, %and3A_347 : i1
        %add3A_349 = arith.constant 1 : i32
        %add3A_350 = arith.addi %scan3A_266, %add3A_349 : i32
        %select_n3A_351 = arith.select %and3A_348, %add3A_350, %scan3A_266 : i32
        %ne3A_352 = arith.cmpi ne, %add3A_283, %add3A_301 : i32
        %or3A_353 = arith.constant false
        %or3A_354 = arith.ori %or3A_353, %ne3A_352 : i1
        %ge3A_355 = arith.constant 7 : i32
        %ge3A_356 = arith.cmpi sge, %scan3A_261, %ge3A_355 : i32
        %not3A_357 = arith.constant true
        %not3A_358 = arith.xori %ge3A_356, %not3A_357 : i1
        %and3A_359 = arith.andi %or3A_354, %not3A_358 : i1
        %convert_element_type3A_360 = arith.extui %and3A_359 : i1 to i32
        %cond3A_361 = arith.constant 0 : i32
        %cond3A_362 = arith.cmpi ne, %convert_element_type3A_360, %cond3A_361 : i32
        scf.if %cond3A_362 {
          "tpu.trace_start"() <{level = 10 : i32, message = "ep_copy_in"}> : () -> ()
          %rem3A_743 = arith.constant 2 : i32
          %rem3A_744 = arith.remui %scan3A_268, %rem3A_743 : i32
          %mul3A_745 = arith.constant 4096 : i32
          %mul3A_746 = arith.muli %mul3A_745, %add3A_301 : i32
          %mul3A_747 = arith.constant 4096 : i32
          %mul3A_748 = arith.muli %rem3A_744, %mul3A_747 : i32
          %add3A_749 = arith.constant 0 : i32
          %add3A_750 = arith.addi %mul3A_748, %add3A_749 : i32
          %dma_start3A_751 = tpu.memref_slice %run_scoped3A_12[%add3A_750] : memref<8192xf32, #tpu.memory_space<vmem>> -> memref<4096xf32, #tpu.memory_space<vmem>>
          %dma_start3A_752 = tpu.memref_slice %arg4[%mul3A_746] : memref<1048576xf32, #tpu.memory_space<hbm>> -> memref<4096xf32, #tpu.memory_space<hbm>>
          %dma_start3A_753 = tpu.memref_slice %run_scoped3A_13[%rem3A_744] : memref<2x!tpu.dma_semaphore, #tpu.memory_space<semaphore_mem>> -> memref<1x!tpu.dma_semaphore, #tpu.memory_space<semaphore_mem>>
          %dma_start3A_754 = tpu.memref_squeeze %dma_start3A_753 : memref<1x!tpu.dma_semaphore, #tpu.memory_space<semaphore_mem>> -> memref<!tpu.dma_semaphore, #tpu.memory_space<semaphore_mem>>
          %dma_start3A_755 = tpu.memref_slice %run_scoped3A_12[%add3A_750] : memref<8192xf32, #tpu.memory_space<vmem>> -> memref<4096xf32, #tpu.memory_space<vmem>>
          %dma_start3A_756 = tpu.memref_slice %arg4[%mul3A_746] : memref<1048576xf32, #tpu.memory_space<hbm>> -> memref<4096xf32, #tpu.memory_space<hbm>>
          tpu.enqueue_dma source(%dma_start3A_756 : memref<4096xf32, #tpu.memory_space<hbm>>) target(%dma_start3A_755 : memref<4096xf32, #tpu.memory_space<vmem>>) target_semaphore(%dma_start3A_754 : memref<!tpu.dma_semaphore, #tpu.memory_space<semaphore_mem>>)
          "tpu.trace_stop"() : () -> ()
        } else {
        }
        %and3A_363 = arith.constant true
        %and3A_364 = arith.andi %and3A_359, %and3A_363 : i1
        %add3A_365 = arith.constant 1 : i32
        %add3A_366 = arith.addi %scan3A_268, %add3A_365 : i32
        %select_n3A_367 = arith.select %and3A_364, %add3A_366, %scan3A_268 : i32
        %ne3A_368 = arith.cmpi ne, %add3A_283, %add3A_301 : i32
        %or3A_369 = arith.constant false
        %or3A_370 = arith.ori %or3A_369, %ne3A_368 : i1
        %ge3A_371 = arith.constant 7 : i32
        %ge3A_372 = arith.cmpi sge, %scan3A_261, %ge3A_371 : i32
        %not3A_373 = arith.constant true
        %not3A_374 = arith.xori %ge3A_372, %not3A_373 : i1
        %and3A_375 = arith.andi %or3A_370, %not3A_374 : i1
        %convert_element_type3A_376 = arith.extui %and3A_375 : i1 to i32
        %cond3A_377 = arith.constant 0 : i32
        %cond3A_378 = arith.cmpi ne, %convert_element_type3A_376, %cond3A_377 : i32
        scf.if %cond3A_378 {
          "tpu.trace_start"() <{level = 10 : i32, message = "ep_copy_in"}> : () -> ()
          %rem3A_743 = arith.constant 2 : i32
          %rem3A_744 = arith.remui %scan3A_270, %rem3A_743 : i32
          %mul3A_745 = arith.constant 4096 : i32
          %mul3A_746 = arith.muli %mul3A_745, %add3A_301 : i32
          %mul3A_747 = arith.constant 4096 : i32
          %mul3A_748 = arith.muli %rem3A_744, %mul3A_747 : i32
          %add3A_749 = arith.constant 0 : i32
          %add3A_750 = arith.addi %mul3A_748, %add3A_749 : i32
          %dma_start3A_751 = tpu.memref_slice %run_scoped3A_14[%add3A_750] : memref<8192xf32, #tpu.memory_space<vmem>> -> memref<4096xf32, #tpu.memory_space<vmem>>
          %dma_start3A_752 = tpu.memref_slice %arg5[%mul3A_746] : memref<1048576xf32, #tpu.memory_space<hbm>> -> memref<4096xf32, #tpu.memory_space<hbm>>
          %dma_start3A_753 = tpu.memref_slice %run_scoped3A_15[%rem3A_744] : memref<2x!tpu.dma_semaphore, #tpu.memory_space<semaphore_mem>> -> memref<1x!tpu.dma_semaphore, #tpu.memory_space<semaphore_mem>>
          %dma_start3A_754 = tpu.memref_squeeze %dma_start3A_753 : memref<1x!tpu.dma_semaphore, #tpu.memory_space<semaphore_mem>> -> memref<!tpu.dma_semaphore, #tpu.memory_space<semaphore_mem>>
          %dma_start3A_755 = tpu.memref_slice %run_scoped3A_14[%add3A_750] : memref<8192xf32, #tpu.memory_space<vmem>> -> memref<4096xf32, #tpu.memory_space<vmem>>
          %dma_start3A_756 = tpu.memref_slice %arg5[%mul3A_746] : memref<1048576xf32, #tpu.memory_space<hbm>> -> memref<4096xf32, #tpu.memory_space<hbm>>
          tpu.enqueue_dma source(%dma_start3A_756 : memref<4096xf32, #tpu.memory_space<hbm>>) target(%dma_start3A_755 : memref<4096xf32, #tpu.memory_space<vmem>>) target_semaphore(%dma_start3A_754 : memref<!tpu.dma_semaphore, #tpu.memory_space<semaphore_mem>>)
          "tpu.trace_stop"() : () -> ()
        } else {
        }
        %and3A_379 = arith.constant true
        %and3A_380 = arith.andi %and3A_375, %and3A_379 : i1
        %add3A_381 = arith.constant 1 : i32
        %add3A_382 = arith.addi %scan3A_270, %add3A_381 : i32
        %select_n3A_383 = arith.select %and3A_380, %add3A_382, %scan3A_270 : i32
        %ne3A_384 = arith.cmpi ne, %add3A_283, %add3A_301 : i32
        %or3A_385 = arith.constant false
        %or3A_386 = arith.ori %or3A_385, %ne3A_384 : i1
        %ge3A_387 = arith.constant 7 : i32
        %ge3A_388 = arith.cmpi sge, %scan3A_261, %ge3A_387 : i32
        %not3A_389 = arith.constant true
        %not3A_390 = arith.xori %ge3A_388, %not3A_389 : i1
        %and3A_391 = arith.andi %or3A_386, %not3A_390 : i1
        %convert_element_type3A_392 = arith.extui %and3A_391 : i1 to i32
        %cond3A_393 = arith.constant 0 : i32
        %cond3A_394 = arith.cmpi ne, %convert_element_type3A_392, %cond3A_393 : i32
        scf.if %cond3A_394 {
          "tpu.trace_start"() <{level = 10 : i32, message = "ep_copy_in"}> : () -> ()
          %rem3A_743 = arith.constant 2 : i32
          %rem3A_744 = arith.remui %scan3A_272, %rem3A_743 : i32
          %mul3A_745 = arith.constant 4096 : i32
          %mul3A_746 = arith.muli %mul3A_745, %add3A_301 : i32
          %mul3A_747 = arith.constant 4096 : i32
          %mul3A_748 = arith.muli %rem3A_744, %mul3A_747 : i32
          %add3A_749 = arith.constant 0 : i32
          %add3A_750 = arith.addi %mul3A_748, %add3A_749 : i32
          %dma_start3A_751 = tpu.memref_slice %run_scoped3A_16[%add3A_750] : memref<8192xf32, #tpu.memory_space<vmem>> -> memref<4096xf32, #tpu.memory_space<vmem>>
          %dma_start3A_752 = tpu.memref_slice %arg6[%mul3A_746] : memref<1048576xf32, #tpu.memory_space<hbm>> -> memref<4096xf32, #tpu.memory_space<hbm>>
          %dma_start3A_753 = tpu.memref_slice %run_scoped3A_17[%rem3A_744] : memref<2x!tpu.dma_semaphore, #tpu.memory_space<semaphore_mem>> -> memref<1x!tpu.dma_semaphore, #tpu.memory_space<semaphore_mem>>
          %dma_start3A_754 = tpu.memref_squeeze %dma_start3A_753 : memref<1x!tpu.dma_semaphore, #tpu.memory_space<semaphore_mem>> -> memref<!tpu.dma_semaphore, #tpu.memory_space<semaphore_mem>>
          %dma_start3A_755 = tpu.memref_slice %run_scoped3A_16[%add3A_750] : memref<8192xf32, #tpu.memory_space<vmem>> -> memref<4096xf32, #tpu.memory_space<vmem>>
          %dma_start3A_756 = tpu.memref_slice %arg6[%mul3A_746] : memref<1048576xf32, #tpu.memory_space<hbm>> -> memref<4096xf32, #tpu.memory_space<hbm>>
          tpu.enqueue_dma source(%dma_start3A_756 : memref<4096xf32, #tpu.memory_space<hbm>>) target(%dma_start3A_755 : memref<4096xf32, #tpu.memory_space<vmem>>) target_semaphore(%dma_start3A_754 : memref<!tpu.dma_semaphore, #tpu.memory_space<semaphore_mem>>)
          "tpu.trace_stop"() : () -> ()
        } else {
        }
        %and3A_395 = arith.constant true
        %and3A_396 = arith.andi %and3A_391, %and3A_395 : i1
        %add3A_397 = arith.constant 1 : i32
        %add3A_398 = arith.addi %scan3A_272, %add3A_397 : i32
        %select_n3A_399 = arith.select %and3A_396, %add3A_398, %scan3A_272 : i32
        %ne3A_400 = arith.cmpi ne, %add3A_283, %add3A_301 : i32
        %or3A_401 = arith.constant false
        %or3A_402 = arith.ori %or3A_401, %ne3A_400 : i1
        %ge3A_403 = arith.constant 7 : i32
        %ge3A_404 = arith.cmpi sge, %scan3A_261, %ge3A_403 : i32
        %not3A_405 = arith.constant true
        %not3A_406 = arith.xori %ge3A_404, %not3A_405 : i1
        %and3A_407 = arith.andi %or3A_402, %not3A_406 : i1
        %convert_element_type3A_408 = arith.extui %and3A_407 : i1 to i32
        %cond3A_409 = arith.constant 0 : i32
        %cond3A_410 = arith.cmpi ne, %convert_element_type3A_408, %cond3A_409 : i32
        scf.if %cond3A_410 {
          "tpu.trace_start"() <{level = 10 : i32, message = "ep_copy_in"}> : () -> ()
          %rem3A_743 = arith.constant 2 : i32
          %rem3A_744 = arith.remui %scan3A_274, %rem3A_743 : i32
          %mul3A_745 = arith.constant 4096 : i32
          %mul3A_746 = arith.muli %mul3A_745, %add3A_301 : i32
          %mul3A_747 = arith.constant 4096 : i32
          %mul3A_748 = arith.muli %rem3A_744, %mul3A_747 : i32
          %add3A_749 = arith.constant 0 : i32
          %add3A_750 = arith.addi %mul3A_748, %add3A_749 : i32
          %dma_start3A_751 = tpu.memref_slice %run_scoped3A_18[%add3A_750] : memref<8192xf32, #tpu.memory_space<vmem>> -> memref<4096xf32, #tpu.memory_space<vmem>>
          %dma_start3A_752 = tpu.memref_slice %arg7[%mul3A_746] : memref<1048576xf32, #tpu.memory_space<hbm>> -> memref<4096xf32, #tpu.memory_space<hbm>>
          %dma_start3A_753 = tpu.memref_slice %run_scoped3A_19[%rem3A_744] : memref<2x!tpu.dma_semaphore, #tpu.memory_space<semaphore_mem>> -> memref<1x!tpu.dma_semaphore, #tpu.memory_space<semaphore_mem>>
          %dma_start3A_754 = tpu.memref_squeeze %dma_start3A_753 : memref<1x!tpu.dma_semaphore, #tpu.memory_space<semaphore_mem>> -> memref<!tpu.dma_semaphore, #tpu.memory_space<semaphore_mem>>
          %dma_start3A_755 = tpu.memref_slice %run_scoped3A_18[%add3A_750] : memref<8192xf32, #tpu.memory_space<vmem>> -> memref<4096xf32, #tpu.memory_space<vmem>>
          %dma_start3A_756 = tpu.memref_slice %arg7[%mul3A_746] : memref<1048576xf32, #tpu.memory_space<hbm>> -> memref<4096xf32, #tpu.memory_space<hbm>>
          tpu.enqueue_dma source(%dma_start3A_756 : memref<4096xf32, #tpu.memory_space<hbm>>) target(%dma_start3A_755 : memref<4096xf32, #tpu.memory_space<vmem>>) target_semaphore(%dma_start3A_754 : memref<!tpu.dma_semaphore, #tpu.memory_space<semaphore_mem>>)
          "tpu.trace_stop"() : () -> ()
        } else {
        }
        %and3A_411 = arith.constant true
        %and3A_412 = arith.andi %and3A_407, %and3A_411 : i1
        %add3A_413 = arith.constant 1 : i32
        %add3A_414 = arith.addi %scan3A_274, %add3A_413 : i32
        %select_n3A_415 = arith.select %and3A_412, %add3A_414, %scan3A_274 : i32
        %ne3A_416 = arith.cmpi ne, %add3A_283, %add3A_301 : i32
        %or3A_417 = arith.constant false
        %or3A_418 = arith.ori %or3A_417, %ne3A_416 : i1
        %or3A_419 = arith.constant false
        %or3A_420 = arith.ori %or3A_418, %or3A_419 : i1
        %ge3A_421 = arith.constant 7 : i32
        %ge3A_422 = arith.cmpi sge, %scan3A_261, %ge3A_421 : i32
        %not3A_423 = arith.constant true
        %not3A_424 = arith.xori %ge3A_422, %not3A_423 : i1
        %and3A_425 = arith.andi %or3A_420, %not3A_424 : i1
        %ne3A_426 = arith.cmpi ne, %add3A_283, %add3A_292 : i32
        %or3A_427 = arith.constant false
        %or3A_428 = arith.ori %or3A_427, %ne3A_426 : i1
        %or3A_429 = arith.ori %or3A_428, %eq3A_280 : i1
        %convert_element_type3A_430 = arith.extui %or3A_429 : i1 to i32
        %cond3A_431 = arith.constant 0 : i32
        %cond3A_432 = arith.cmpi ne, %convert_element_type3A_430, %cond3A_431 : i32
        scf.if %cond3A_432 {
          "tpu.trace_start"() <{level = 10 : i32, message = "ep_wait_in"}> : () -> ()
          %mul3A_743 = arith.constant 4096 : i32
          %mul3A_744 = arith.muli %mul3A_743, %add3A_283 : i32
          %rem3A_745 = arith.constant 2 : i32
          %rem3A_746 = arith.remui %scan3A_263, %rem3A_745 : i32
          %mul3A_747 = arith.constant 4096 : i32
          %mul3A_748 = arith.muli %rem3A_746, %mul3A_747 : i32
          %add3A_749 = arith.constant 0 : i32
          %add3A_750 = arith.addi %mul3A_748, %add3A_749 : i32
          %dma_wait3A_751 = tpu.memref_slice %run_scoped3A[%add3A_750] : memref<8192xi32, #tpu.memory_space<vmem>> -> memref<4096xi32, #tpu.memory_space<vmem>>
          %dma_wait3A_752 = tpu.memref_slice %arg8[%mul3A_744] : memref<1048576xi32, #tpu.memory_space<hbm>> -> memref<4096xi32, #tpu.memory_space<hbm>>
          %dma_wait3A_753 = tpu.memref_slice %run_scoped3A_7[%rem3A_746] : memref<2x!tpu.dma_semaphore, #tpu.memory_space<semaphore_mem>> -> memref<1x!tpu.dma_semaphore, #tpu.memory_space<semaphore_mem>>
          %dma_wait3A_754 = tpu.memref_squeeze %dma_wait3A_753 : memref<1x!tpu.dma_semaphore, #tpu.memory_space<semaphore_mem>> -> memref<!tpu.dma_semaphore, #tpu.memory_space<semaphore_mem>>
          %dma_wait3A_755 = tpu.memref_slice %run_scoped3A[%add3A_750] : memref<8192xi32, #tpu.memory_space<vmem>> -> memref<4096xi32, #tpu.memory_space<vmem>>
          %dma_wait3A_756 = tpu.memref_slice %arg8[%mul3A_744] : memref<1048576xi32, #tpu.memory_space<hbm>> -> memref<4096xi32, #tpu.memory_space<hbm>>
          tpu.wait_dma2 semaphore(%dma_wait3A_754 : memref<!tpu.dma_semaphore, #tpu.memory_space<semaphore_mem>>) src(%dma_wait3A_756 : memref<4096xi32, #tpu.memory_space<hbm>>) dst(%dma_wait3A_755 : memref<4096xi32, #tpu.memory_space<vmem>>)
          "tpu.trace_stop"() : () -> ()
        } else {
        }
        %ne3A_433 = arith.cmpi ne, %add3A_283, %add3A_292 : i32
        %or3A_434 = arith.constant false
        %or3A_435 = arith.ori %or3A_434, %ne3A_433 : i1
        %or3A_436 = arith.ori %or3A_435, %eq3A_280 : i1
        %convert_element_type3A_437 = arith.extui %or3A_436 : i1 to i32
        %cond3A_438 = arith.constant 0 : i32
        %cond3A_439 = arith.cmpi ne, %convert_element_type3A_437, %cond3A_438 : i32
        scf.if %cond3A_439 {
          "tpu.trace_start"() <{level = 10 : i32, message = "ep_wait_in"}> : () -> ()
          %mul3A_743 = arith.constant 4096 : i32
          %mul3A_744 = arith.muli %mul3A_743, %add3A_283 : i32
          %rem3A_745 = arith.constant 2 : i32
          %rem3A_746 = arith.remui %scan3A_265, %rem3A_745 : i32
          %mul3A_747 = arith.constant 4096 : i32
          %mul3A_748 = arith.muli %rem3A_746, %mul3A_747 : i32
          %add3A_749 = arith.constant 0 : i32
          %add3A_750 = arith.addi %mul3A_748, %add3A_749 : i32
          %dma_wait3A_751 = tpu.memref_slice %run_scoped3A_8[%add3A_750] : memref<8192xf32, #tpu.memory_space<vmem>> -> memref<4096xf32, #tpu.memory_space<vmem>>
          %dma_wait3A_752 = tpu.memref_slice %arg2[%mul3A_744] : memref<1048576xf32, #tpu.memory_space<hbm>> -> memref<4096xf32, #tpu.memory_space<hbm>>
          %dma_wait3A_753 = tpu.memref_slice %run_scoped3A_9[%rem3A_746] : memref<2x!tpu.dma_semaphore, #tpu.memory_space<semaphore_mem>> -> memref<1x!tpu.dma_semaphore, #tpu.memory_space<semaphore_mem>>
          %dma_wait3A_754 = tpu.memref_squeeze %dma_wait3A_753 : memref<1x!tpu.dma_semaphore, #tpu.memory_space<semaphore_mem>> -> memref<!tpu.dma_semaphore, #tpu.memory_space<semaphore_mem>>
          %dma_wait3A_755 = tpu.memref_slice %run_scoped3A_8[%add3A_750] : memref<8192xf32, #tpu.memory_space<vmem>> -> memref<4096xf32, #tpu.memory_space<vmem>>
          %dma_wait3A_756 = tpu.memref_slice %arg2[%mul3A_744] : memref<1048576xf32, #tpu.memory_space<hbm>> -> memref<4096xf32, #tpu.memory_space<hbm>>
          tpu.wait_dma2 semaphore(%dma_wait3A_754 : memref<!tpu.dma_semaphore, #tpu.memory_space<semaphore_mem>>) src(%dma_wait3A_756 : memref<4096xf32, #tpu.memory_space<hbm>>) dst(%dma_wait3A_755 : memref<4096xf32, #tpu.memory_space<vmem>>)
          "tpu.trace_stop"() : () -> ()
        } else {
        }
        %ne3A_440 = arith.cmpi ne, %add3A_283, %add3A_292 : i32
        %or3A_441 = arith.constant false
        %or3A_442 = arith.ori %or3A_441, %ne3A_440 : i1
        %or3A_443 = arith.ori %or3A_442, %eq3A_280 : i1
        %convert_element_type3A_444 = arith.extui %or3A_443 : i1 to i32
        %cond3A_445 = arith.constant 0 : i32
        %cond3A_446 = arith.cmpi ne, %convert_element_type3A_444, %cond3A_445 : i32
        scf.if %cond3A_446 {
          "tpu.trace_start"() <{level = 10 : i32, message = "ep_wait_in"}> : () -> ()
          %mul3A_743 = arith.constant 4096 : i32
          %mul3A_744 = arith.muli %mul3A_743, %add3A_283 : i32
          %rem3A_745 = arith.constant 2 : i32
          %rem3A_746 = arith.remui %scan3A_267, %rem3A_745 : i32
          %mul3A_747 = arith.constant 4096 : i32
          %mul3A_748 = arith.muli %rem3A_746, %mul3A_747 : i32
          %add3A_749 = arith.constant 0 : i32
          %add3A_750 = arith.addi %mul3A_748, %add3A_749 : i32
          %dma_wait3A_751 = tpu.memref_slice %run_scoped3A_10[%add3A_750] : memref<8192xf32, #tpu.memory_space<vmem>> -> memref<4096xf32, #tpu.memory_space<vmem>>
          %dma_wait3A_752 = tpu.memref_slice %arg3[%mul3A_744] : memref<1048576xf32, #tpu.memory_space<hbm>> -> memref<4096xf32, #tpu.memory_space<hbm>>
          %dma_wait3A_753 = tpu.memref_slice %run_scoped3A_11[%rem3A_746] : memref<2x!tpu.dma_semaphore, #tpu.memory_space<semaphore_mem>> -> memref<1x!tpu.dma_semaphore, #tpu.memory_space<semaphore_mem>>
          %dma_wait3A_754 = tpu.memref_squeeze %dma_wait3A_753 : memref<1x!tpu.dma_semaphore, #tpu.memory_space<semaphore_mem>> -> memref<!tpu.dma_semaphore, #tpu.memory_space<semaphore_mem>>
          %dma_wait3A_755 = tpu.memref_slice %run_scoped3A_10[%add3A_750] : memref<8192xf32, #tpu.memory_space<vmem>> -> memref<4096xf32, #tpu.memory_space<vmem>>
          %dma_wait3A_756 = tpu.memref_slice %arg3[%mul3A_744] : memref<1048576xf32, #tpu.memory_space<hbm>> -> memref<4096xf32, #tpu.memory_space<hbm>>
          tpu.wait_dma2 semaphore(%dma_wait3A_754 : memref<!tpu.dma_semaphore, #tpu.memory_space<semaphore_mem>>) src(%dma_wait3A_756 : memref<4096xf32, #tpu.memory_space<hbm>>) dst(%dma_wait3A_755 : memref<4096xf32, #tpu.memory_space<vmem>>)
          "tpu.trace_stop"() : () -> ()
        } else {
        }
        %ne3A_447 = arith.cmpi ne, %add3A_283, %add3A_292 : i32
        %or3A_448 = arith.constant false
        %or3A_449 = arith.ori %or3A_448, %ne3A_447 : i1
        %or3A_450 = arith.ori %or3A_449, %eq3A_280 : i1
        %convert_element_type3A_451 = arith.extui %or3A_450 : i1 to i32
        %cond3A_452 = arith.constant 0 : i32
        %cond3A_453 = arith.cmpi ne, %convert_element_type3A_451, %cond3A_452 : i32
        scf.if %cond3A_453 {
          "tpu.trace_start"() <{level = 10 : i32, message = "ep_wait_in"}> : () -> ()
          %mul3A_743 = arith.constant 4096 : i32
          %mul3A_744 = arith.muli %mul3A_743, %add3A_283 : i32
          %rem3A_745 = arith.constant 2 : i32
          %rem3A_746 = arith.remui %scan3A_269, %rem3A_745 : i32
          %mul3A_747 = arith.constant 4096 : i32
          %mul3A_748 = arith.muli %rem3A_746, %mul3A_747 : i32
          %add3A_749 = arith.constant 0 : i32
          %add3A_750 = arith.addi %mul3A_748, %add3A_749 : i32
          %dma_wait3A_751 = tpu.memref_slice %run_scoped3A_12[%add3A_750] : memref<8192xf32, #tpu.memory_space<vmem>> -> memref<4096xf32, #tpu.memory_space<vmem>>
          %dma_wait3A_752 = tpu.memref_slice %arg4[%mul3A_744] : memref<1048576xf32, #tpu.memory_space<hbm>> -> memref<4096xf32, #tpu.memory_space<hbm>>
          %dma_wait3A_753 = tpu.memref_slice %run_scoped3A_13[%rem3A_746] : memref<2x!tpu.dma_semaphore, #tpu.memory_space<semaphore_mem>> -> memref<1x!tpu.dma_semaphore, #tpu.memory_space<semaphore_mem>>
          %dma_wait3A_754 = tpu.memref_squeeze %dma_wait3A_753 : memref<1x!tpu.dma_semaphore, #tpu.memory_space<semaphore_mem>> -> memref<!tpu.dma_semaphore, #tpu.memory_space<semaphore_mem>>
          %dma_wait3A_755 = tpu.memref_slice %run_scoped3A_12[%add3A_750] : memref<8192xf32, #tpu.memory_space<vmem>> -> memref<4096xf32, #tpu.memory_space<vmem>>
          %dma_wait3A_756 = tpu.memref_slice %arg4[%mul3A_744] : memref<1048576xf32, #tpu.memory_space<hbm>> -> memref<4096xf32, #tpu.memory_space<hbm>>
          tpu.wait_dma2 semaphore(%dma_wait3A_754 : memref<!tpu.dma_semaphore, #tpu.memory_space<semaphore_mem>>) src(%dma_wait3A_756 : memref<4096xf32, #tpu.memory_space<hbm>>) dst(%dma_wait3A_755 : memref<4096xf32, #tpu.memory_space<vmem>>)
          "tpu.trace_stop"() : () -> ()
        } else {
        }
        %ne3A_454 = arith.cmpi ne, %add3A_283, %add3A_292 : i32
        %or3A_455 = arith.constant false
        %or3A_456 = arith.ori %or3A_455, %ne3A_454 : i1
        %or3A_457 = arith.ori %or3A_456, %eq3A_280 : i1
        %convert_element_type3A_458 = arith.extui %or3A_457 : i1 to i32
        %cond3A_459 = arith.constant 0 : i32
        %cond3A_460 = arith.cmpi ne, %convert_element_type3A_458, %cond3A_459 : i32
        scf.if %cond3A_460 {
          "tpu.trace_start"() <{level = 10 : i32, message = "ep_wait_in"}> : () -> ()
          %mul3A_743 = arith.constant 4096 : i32
          %mul3A_744 = arith.muli %mul3A_743, %add3A_283 : i32
          %rem3A_745 = arith.constant 2 : i32
          %rem3A_746 = arith.remui %scan3A_271, %rem3A_745 : i32
          %mul3A_747 = arith.constant 4096 : i32
          %mul3A_748 = arith.muli %rem3A_746, %mul3A_747 : i32
          %add3A_749 = arith.constant 0 : i32
          %add3A_750 = arith.addi %mul3A_748, %add3A_749 : i32
          %dma_wait3A_751 = tpu.memref_slice %run_scoped3A_14[%add3A_750] : memref<8192xf32, #tpu.memory_space<vmem>> -> memref<4096xf32, #tpu.memory_space<vmem>>
          %dma_wait3A_752 = tpu.memref_slice %arg5[%mul3A_744] : memref<1048576xf32, #tpu.memory_space<hbm>> -> memref<4096xf32, #tpu.memory_space<hbm>>
          %dma_wait3A_753 = tpu.memref_slice %run_scoped3A_15[%rem3A_746] : memref<2x!tpu.dma_semaphore, #tpu.memory_space<semaphore_mem>> -> memref<1x!tpu.dma_semaphore, #tpu.memory_space<semaphore_mem>>
          %dma_wait3A_754 = tpu.memref_squeeze %dma_wait3A_753 : memref<1x!tpu.dma_semaphore, #tpu.memory_space<semaphore_mem>> -> memref<!tpu.dma_semaphore, #tpu.memory_space<semaphore_mem>>
          %dma_wait3A_755 = tpu.memref_slice %run_scoped3A_14[%add3A_750] : memref<8192xf32, #tpu.memory_space<vmem>> -> memref<4096xf32, #tpu.memory_space<vmem>>
          %dma_wait3A_756 = tpu.memref_slice %arg5[%mul3A_744] : memref<1048576xf32, #tpu.memory_space<hbm>> -> memref<4096xf32, #tpu.memory_space<hbm>>
          tpu.wait_dma2 semaphore(%dma_wait3A_754 : memref<!tpu.dma_semaphore, #tpu.memory_space<semaphore_mem>>) src(%dma_wait3A_756 : memref<4096xf32, #tpu.memory_space<hbm>>) dst(%dma_wait3A_755 : memref<4096xf32, #tpu.memory_space<vmem>>)
          "tpu.trace_stop"() : () -> ()
        } else {
        }
        %ne3A_461 = arith.cmpi ne, %add3A_283, %add3A_292 : i32
        %or3A_462 = arith.constant false
        %or3A_463 = arith.ori %or3A_462, %ne3A_461 : i1
        %or3A_464 = arith.ori %or3A_463, %eq3A_280 : i1
        %convert_element_type3A_465 = arith.extui %or3A_464 : i1 to i32
        %cond3A_466 = arith.constant 0 : i32
        %cond3A_467 = arith.cmpi ne, %convert_element_type3A_465, %cond3A_466 : i32
        scf.if %cond3A_467 {
          "tpu.trace_start"() <{level = 10 : i32, message = "ep_wait_in"}> : () -> ()
          %mul3A_743 = arith.constant 4096 : i32
          %mul3A_744 = arith.muli %mul3A_743, %add3A_283 : i32
          %rem3A_745 = arith.constant 2 : i32
          %rem3A_746 = arith.remui %scan3A_273, %rem3A_745 : i32
          %mul3A_747 = arith.constant 4096 : i32
          %mul3A_748 = arith.muli %rem3A_746, %mul3A_747 : i32
          %add3A_749 = arith.constant 0 : i32
          %add3A_750 = arith.addi %mul3A_748, %add3A_749 : i32
          %dma_wait3A_751 = tpu.memref_slice %run_scoped3A_16[%add3A_750] : memref<8192xf32, #tpu.memory_space<vmem>> -> memref<4096xf32, #tpu.memory_space<vmem>>
          %dma_wait3A_752 = tpu.memref_slice %arg6[%mul3A_744] : memref<1048576xf32, #tpu.memory_space<hbm>> -> memref<4096xf32, #tpu.memory_space<hbm>>
          %dma_wait3A_753 = tpu.memref_slice %run_scoped3A_17[%rem3A_746] : memref<2x!tpu.dma_semaphore, #tpu.memory_space<semaphore_mem>> -> memref<1x!tpu.dma_semaphore, #tpu.memory_space<semaphore_mem>>
          %dma_wait3A_754 = tpu.memref_squeeze %dma_wait3A_753 : memref<1x!tpu.dma_semaphore, #tpu.memory_space<semaphore_mem>> -> memref<!tpu.dma_semaphore, #tpu.memory_space<semaphore_mem>>
          %dma_wait3A_755 = tpu.memref_slice %run_scoped3A_16[%add3A_750] : memref<8192xf32, #tpu.memory_space<vmem>> -> memref<4096xf32, #tpu.memory_space<vmem>>
          %dma_wait3A_756 = tpu.memref_slice %arg6[%mul3A_744] : memref<1048576xf32, #tpu.memory_space<hbm>> -> memref<4096xf32, #tpu.memory_space<hbm>>
          tpu.wait_dma2 semaphore(%dma_wait3A_754 : memref<!tpu.dma_semaphore, #tpu.memory_space<semaphore_mem>>) src(%dma_wait3A_756 : memref<4096xf32, #tpu.memory_space<hbm>>) dst(%dma_wait3A_755 : memref<4096xf32, #tpu.memory_space<vmem>>)
          "tpu.trace_stop"() : () -> ()
        } else {
        }
        %ne3A_468 = arith.cmpi ne, %add3A_283, %add3A_292 : i32
        %or3A_469 = arith.constant false
        %or3A_470 = arith.ori %or3A_469, %ne3A_468 : i1
        %or3A_471 = arith.ori %or3A_470, %eq3A_280 : i1
        %convert_element_type3A_472 = arith.extui %or3A_471 : i1 to i32
        %cond3A_473 = arith.constant 0 : i32
        %cond3A_474 = arith.cmpi ne, %convert_element_type3A_472, %cond3A_473 : i32
        scf.if %cond3A_474 {
          "tpu.trace_start"() <{level = 10 : i32, message = "ep_wait_in"}> : () -> ()
          %mul3A_743 = arith.constant 4096 : i32
          %mul3A_744 = arith.muli %mul3A_743, %add3A_283 : i32
          %rem3A_745 = arith.constant 2 : i32
          %rem3A_746 = arith.remui %scan3A_275, %rem3A_745 : i32
          %mul3A_747 = arith.constant 4096 : i32
          %mul3A_748 = arith.muli %rem3A_746, %mul3A_747 : i32
          %add3A_749 = arith.constant 0 : i32
          %add3A_750 = arith.addi %mul3A_748, %add3A_749 : i32
          %dma_wait3A_751 = tpu.memref_slice %run_scoped3A_18[%add3A_750] : memref<8192xf32, #tpu.memory_space<vmem>> -> memref<4096xf32, #tpu.memory_space<vmem>>
          %dma_wait3A_752 = tpu.memref_slice %arg7[%mul3A_744] : memref<1048576xf32, #tpu.memory_space<hbm>> -> memref<4096xf32, #tpu.memory_space<hbm>>
          %dma_wait3A_753 = tpu.memref_slice %run_scoped3A_19[%rem3A_746] : memref<2x!tpu.dma_semaphore, #tpu.memory_space<semaphore_mem>> -> memref<1x!tpu.dma_semaphore, #tpu.memory_space<semaphore_mem>>
          %dma_wait3A_754 = tpu.memref_squeeze %dma_wait3A_753 : memref<1x!tpu.dma_semaphore, #tpu.memory_space<semaphore_mem>> -> memref<!tpu.dma_semaphore, #tpu.memory_space<semaphore_mem>>
          %dma_wait3A_755 = tpu.memref_slice %run_scoped3A_18[%add3A_750] : memref<8192xf32, #tpu.memory_space<vmem>> -> memref<4096xf32, #tpu.memory_space<vmem>>
          %dma_wait3A_756 = tpu.memref_slice %arg7[%mul3A_744] : memref<1048576xf32, #tpu.memory_space<hbm>> -> memref<4096xf32, #tpu.memory_space<hbm>>
          tpu.wait_dma2 semaphore(%dma_wait3A_754 : memref<!tpu.dma_semaphore, #tpu.memory_space<semaphore_mem>>) src(%dma_wait3A_756 : memref<4096xf32, #tpu.memory_space<hbm>>) dst(%dma_wait3A_755 : memref<4096xf32, #tpu.memory_space<vmem>>)
          "tpu.trace_stop"() : () -> ()
        } else {
        }
        %ne3A_475 = arith.cmpi ne, %add3A_283, %add3A_292 : i32
        %or3A_476 = arith.constant false
        %or3A_477 = arith.ori %or3A_476, %ne3A_475 : i1
        %or3A_478 = arith.constant false
        %or3A_479 = arith.ori %or3A_477, %or3A_478 : i1
        %or3A_480 = arith.ori %or3A_479, %eq3A_280 : i1
        %convert_element_type3A_481 = arith.extui %or3A_480 : i1 to i32
        %cond3A_482 = arith.constant 0 : i32
        %cond3A_483 = arith.cmpi ne, %convert_element_type3A_481, %cond3A_482 : i32
        scf.if %cond3A_483 {
        } else {
        }
        %rem3A_484 = arith.constant 2 : i32
        %rem3A_485 = arith.remui %scan3A_263, %rem3A_484 : i32
        %mul3A_486 = arith.constant 4096 : i32
        %mul3A_487 = arith.muli %rem3A_485, %mul3A_486 : i32
        %rem3A_488 = arith.constant 2 : i32
        %rem3A_489 = arith.remui %scan3A_265, %rem3A_488 : i32
        %mul3A_490 = arith.constant 4096 : i32
        %mul3A_491 = arith.muli %rem3A_489, %mul3A_490 : i32
        %rem3A_492 = arith.constant 2 : i32
        %rem3A_493 = arith.remui %scan3A_267, %rem3A_492 : i32
        %mul3A_494 = arith.constant 4096 : i32
        %mul3A_495 = arith.muli %rem3A_493, %mul3A_494 : i32
        %rem3A_496 = arith.constant 2 : i32
        %rem3A_497 = arith.remui %scan3A_269, %rem3A_496 : i32
        %mul3A_498 = arith.constant 4096 : i32
        %mul3A_499 = arith.muli %rem3A_497, %mul3A_498 : i32
        %rem3A_500 = arith.constant 2 : i32
        %rem3A_501 = arith.remui %scan3A_271, %rem3A_500 : i32
        %mul3A_502 = arith.constant 4096 : i32
        %mul3A_503 = arith.muli %rem3A_501, %mul3A_502 : i32
        %rem3A_504 = arith.constant 2 : i32
        %rem3A_505 = arith.remui %scan3A_273, %rem3A_504 : i32
        %mul3A_506 = arith.constant 4096 : i32
        %mul3A_507 = arith.muli %rem3A_505, %mul3A_506 : i32
        %rem3A_508 = arith.constant 2 : i32
        %rem3A_509 = arith.remui %scan3A_275, %rem3A_508 : i32
        %mul3A_510 = arith.constant 4096 : i32
        %mul3A_511 = arith.muli %rem3A_509, %mul3A_510 : i32
        %rem3A_512 = arith.constant 2 : i32
        %rem3A_513 = arith.remui %scan3A_276, %rem3A_512 : i32
        %parallel_loop3A = arith.constant 0 : i32
        %parallel_loop3A_514 = arith.constant 4096 : i32
        %parallel_loop3A_515 = arith.constant 16 : i32
        "tpu.trace_start"() <{level = 10 : i32, message = "ep_run_kernel"}> : () -> ()
        scf.for %parallel_loop3A_743 = %parallel_loop3A to %parallel_loop3A_514 step %parallel_loop3A_515  : i32 {
          %parallel_loop3A_744 = arith.constant 128 : i32
          %parallel_loop3A_745 = arith.divsi %parallel_loop3A_743, %parallel_loop3A_744 : i32
          %parallel_loop3A_746 = arith.constant 0 : i32
          %parallel_loop3A_747 = arith.cmpi sgt, %parallel_loop3A_743, %parallel_loop3A_746 : i32
          %parallel_loop3A_748 = arith.extui %parallel_loop3A_747 : i1 to i32
          %parallel_loop3A_749 = arith.constant 0 : i32
          %parallel_loop3A_750 = arith.cmpi slt, %parallel_loop3A_743, %parallel_loop3A_749 : i32
          %parallel_loop3A_751 = arith.extui %parallel_loop3A_750 : i1 to i32
          %parallel_loop3A_752 = arith.subi %parallel_loop3A_748, %parallel_loop3A_751 : i32
          %parallel_loop3A_753 = arith.constant 0 : i32
          %parallel_loop3A_754 = arith.cmpi sgt, %parallel_loop3A_744, %parallel_loop3A_753 : i32
          %parallel_loop3A_755 = arith.extui %parallel_loop3A_754 : i1 to i32
          %parallel_loop3A_756 = arith.constant 0 : i32
          %parallel_loop3A_757 = arith.cmpi slt, %parallel_loop3A_744, %parallel_loop3A_756 : i32
          %parallel_loop3A_758 = arith.extui %parallel_loop3A_757 : i1 to i32
          %parallel_loop3A_759 = arith.subi %parallel_loop3A_755, %parallel_loop3A_758 : i32
          %parallel_loop3A_760 = arith.cmpi ne, %parallel_loop3A_752, %parallel_loop3A_759 : i32
          %parallel_loop3A_761 = arith.remsi %parallel_loop3A_743, %parallel_loop3A_744 : i32
          %parallel_loop3A_762 = arith.constant 0 : i32
          %parallel_loop3A_763 = arith.cmpi ne, %parallel_loop3A_761, %parallel_loop3A_762 : i32
          %parallel_loop3A_764 = arith.andi %parallel_loop3A_760, %parallel_loop3A_763 : i1
          %parallel_loop3A_765 = arith.constant 1 : i32
          %parallel_loop3A_766 = arith.subi %parallel_loop3A_745, %parallel_loop3A_765 : i32
          %parallel_loop3A_767 = arith.select %parallel_loop3A_764, %parallel_loop3A_766, %parallel_loop3A_745 : i32
          %parallel_loop3A_768 = arith.constant 128 : i32
          %parallel_loop3A_769 = arith.muli %parallel_loop3A_767, %parallel_loop3A_768 : i32
          %parallel_loop3A_770 = arith.subi %parallel_loop3A_743, %parallel_loop3A_769 : i32
          %parallel_loop3A_771 = tpu.memref_slice %run_scoped3A[%mul3A_487] : memref<8192xi32, #tpu.memory_space<vmem>> -> memref<4096xi32, #tpu.memory_space<vmem>>
          %parallel_loop3A_772 = arith.index_cast %parallel_loop3A_743 : i32 to index
          %parallel_loop3A_773 = tpu.vector_load %parallel_loop3A_771[%parallel_loop3A_772] {strides = array<i32>} : memref<4096xi32, #tpu.memory_space<vmem>>, vector<16xi32>,
          %parallel_loop3A_774 = tpu.vector_load_idx %arg12[%parallel_loop3A_773] : memref<1024xf32, #tpu.memory_space<vmem>>[vector<16xi32>], vector<16xf32>,
          %parallel_loop3A_775 = tpu.vector_load_idx %arg13[%parallel_loop3A_773] : memref<1024xf32, #tpu.memory_space<vmem>>[vector<16xi32>], vector<16xf32>,
          %parallel_loop3A_776 = tpu.memref_slice %run_scoped3A_8[%mul3A_491] : memref<8192xf32, #tpu.memory_space<vmem>> -> memref<4096xf32, #tpu.memory_space<vmem>>
          %parallel_loop3A_777 = arith.index_cast %parallel_loop3A_743 : i32 to index
          %parallel_loop3A_778 = tpu.vector_load %parallel_loop3A_776[%parallel_loop3A_777] {strides = array<i32>} : memref<4096xf32, #tpu.memory_space<vmem>>, vector<16xf32>,
          %parallel_loop3A_779 = arith.mulf %parallel_loop3A_774, %parallel_loop3A_778 : vector<16xf32>
          %parallel_loop3A_780 = tpu.memref_slice %run_scoped3A_14[%mul3A_503] : memref<8192xf32, #tpu.memory_space<vmem>> -> memref<4096xf32, #tpu.memory_space<vmem>>
          %parallel_loop3A_781 = arith.index_cast %parallel_loop3A_743 : i32 to index
          %parallel_loop3A_782 = tpu.vector_load %parallel_loop3A_780[%parallel_loop3A_781] {strides = array<i32>} : memref<4096xf32, #tpu.memory_space<vmem>>, vector<16xf32>,
          %parallel_loop3A_783 = arith.mulf %parallel_loop3A_775, %parallel_loop3A_782 : vector<16xf32>
          %parallel_loop3A_784 = arith.addf %parallel_loop3A_779, %parallel_loop3A_783 : vector<16xf32>
          %parallel_loop3A_785 = arith.constant 4 : i32
          %parallel_loop3A_786 = arith.muli %parallel_loop3A_785, %parallel_loop3A_767 : i32
          %parallel_loop3A_787 = arith.constant 0 : i32
          %parallel_loop3A_788 = arith.addi %parallel_loop3A_786, %parallel_loop3A_787 : i32
          %parallel_loop3A_789 = arith.constant 0 : i32
          %parallel_loop3A_790 = arith.constant 0 : i32
          %parallel_loop3A_791 = tpu.memref_slice %run_scoped3A_20[%rem3A_513, %parallel_loop3A_789, %parallel_loop3A_790] : memref<2x128x128xf32, #tpu.memory_space<vmem>> -> memref<1x128x128xf32, #tpu.memory_space<vmem>>
          %parallel_loop3A_792 = tpu.memref_squeeze %parallel_loop3A_791 : memref<1x128x128xf32, #tpu.memory_space<vmem>> -> memref<128x128xf32, #tpu.memory_space<vmem>>
          %parallel_loop3A_793 = arith.index_cast %parallel_loop3A_788 : i32 to index
          %parallel_loop3A_794 = arith.index_cast %parallel_loop3A_770 : i32 to index
          %parallel_loop3A_795 = tpu.vector_load %parallel_loop3A_792[%parallel_loop3A_793, %parallel_loop3A_794] {strides = array<i32>} : memref<128x128xf32, #tpu.memory_space<vmem>>, vector<16xf32>,
          tpu.vector_store %parallel_loop3A_792[%parallel_loop3A_793, %parallel_loop3A_794], %parallel_loop3A_784 {strides = array<i32>} : memref<128x128xf32, #tpu.memory_space<vmem>>, vector<16xf32>,
          %parallel_loop3A_796 = tpu.memref_slice %run_scoped3A_10[%mul3A_495] : memref<8192xf32, #tpu.memory_space<vmem>> -> memref<4096xf32, #tpu.memory_space<vmem>>
          %parallel_loop3A_797 = arith.index_cast %parallel_loop3A_743 : i32 to index
          %parallel_loop3A_798 = tpu.vector_load %parallel_loop3A_796[%parallel_loop3A_797] {strides = array<i32>} : memref<4096xf32, #tpu.memory_space<vmem>>, vector<16xf32>,
          %parallel_loop3A_799 = arith.mulf %parallel_loop3A_774, %parallel_loop3A_798 : vector<16xf32>
          %parallel_loop3A_800 = tpu.memref_slice %run_scoped3A_16[%mul3A_507] : memref<8192xf32, #tpu.memory_space<vmem>> -> memref<4096xf32, #tpu.memory_space<vmem>>
          %parallel_loop3A_801 = arith.index_cast %parallel_loop3A_743 : i32 to index
          %parallel_loop3A_802 = tpu.vector_load %parallel_loop3A_800[%parallel_loop3A_801] {strides = array<i32>} : memref<4096xf32, #tpu.memory_space<vmem>>, vector<16xf32>,
          %parallel_loop3A_803 = arith.mulf %parallel_loop3A_775, %parallel_loop3A_802 : vector<16xf32>
          %parallel_loop3A_804 = arith.addf %parallel_loop3A_799, %parallel_loop3A_803 : vector<16xf32>
          %parallel_loop3A_805 = arith.constant 4 : i32
          %parallel_loop3A_806 = arith.muli %parallel_loop3A_805, %parallel_loop3A_767 : i32
          %parallel_loop3A_807 = arith.constant 1 : i32
          %parallel_loop3A_808 = arith.addi %parallel_loop3A_806, %parallel_loop3A_807 : i32
          %parallel_loop3A_809 = arith.constant 0 : i32
          %parallel_loop3A_810 = arith.constant 0 : i32
          %parallel_loop3A_811 = tpu.memref_slice %run_scoped3A_20[%rem3A_513, %parallel_loop3A_809, %parallel_loop3A_810] : memref<2x128x128xf32, #tpu.memory_space<vmem>> -> memref<1x128x128xf32, #tpu.memory_space<vmem>>
          %parallel_loop3A_812 = tpu.memref_squeeze %parallel_loop3A_811 : memref<1x128x128xf32, #tpu.memory_space<vmem>> -> memref<128x128xf32, #tpu.memory_space<vmem>>
          %parallel_loop3A_813 = arith.index_cast %parallel_loop3A_808 : i32 to index
          %parallel_loop3A_814 = arith.index_cast %parallel_loop3A_770 : i32 to index
          %parallel_loop3A_815 = tpu.vector_load %parallel_loop3A_812[%parallel_loop3A_813, %parallel_loop3A_814] {strides = array<i32>} : memref<128x128xf32, #tpu.memory_space<vmem>>, vector<16xf32>,
          tpu.vector_store %parallel_loop3A_812[%parallel_loop3A_813, %parallel_loop3A_814], %parallel_loop3A_804 {strides = array<i32>} : memref<128x128xf32, #tpu.memory_space<vmem>>, vector<16xf32>,
          %parallel_loop3A_816 = tpu.memref_slice %run_scoped3A_12[%mul3A_499] : memref<8192xf32, #tpu.memory_space<vmem>> -> memref<4096xf32, #tpu.memory_space<vmem>>
          %parallel_loop3A_817 = arith.index_cast %parallel_loop3A_743 : i32 to index
          %parallel_loop3A_818 = tpu.vector_load %parallel_loop3A_816[%parallel_loop3A_817] {strides = array<i32>} : memref<4096xf32, #tpu.memory_space<vmem>>, vector<16xf32>,
          %parallel_loop3A_819 = arith.mulf %parallel_loop3A_774, %parallel_loop3A_818 : vector<16xf32>
          %parallel_loop3A_820 = tpu.memref_slice %run_scoped3A_18[%mul3A_511] : memref<8192xf32, #tpu.memory_space<vmem>> -> memref<4096xf32, #tpu.memory_space<vmem>>
          %parallel_loop3A_821 = arith.index_cast %parallel_loop3A_743 : i32 to index
          %parallel_loop3A_822 = tpu.vector_load %parallel_loop3A_820[%parallel_loop3A_821] {strides = array<i32>} : memref<4096xf32, #tpu.memory_space<vmem>>, vector<16xf32>,
          %parallel_loop3A_823 = arith.mulf %parallel_loop3A_775, %parallel_loop3A_822 : vector<16xf32>
          %parallel_loop3A_824 = arith.addf %parallel_loop3A_819, %parallel_loop3A_823 : vector<16xf32>
          %parallel_loop3A_825 = arith.constant 4 : i32
          %parallel_loop3A_826 = arith.muli %parallel_loop3A_825, %parallel_loop3A_767 : i32
          %parallel_loop3A_827 = arith.constant 2 : i32
          %parallel_loop3A_828 = arith.addi %parallel_loop3A_826, %parallel_loop3A_827 : i32
          %parallel_loop3A_829 = arith.constant 0 : i32
          %parallel_loop3A_830 = arith.constant 0 : i32
          %parallel_loop3A_831 = tpu.memref_slice %run_scoped3A_20[%rem3A_513, %parallel_loop3A_829, %parallel_loop3A_830] : memref<2x128x128xf32, #tpu.memory_space<vmem>> -> memref<1x128x128xf32, #tpu.memory_space<vmem>>
          %parallel_loop3A_832 = tpu.memref_squeeze %parallel_loop3A_831 : memref<1x128x128xf32, #tpu.memory_space<vmem>> -> memref<128x128xf32, #tpu.memory_space<vmem>>
          %parallel_loop3A_833 = arith.index_cast %parallel_loop3A_828 : i32 to index
          %parallel_loop3A_834 = arith.index_cast %parallel_loop3A_770 : i32 to index
          %parallel_loop3A_835 = tpu.vector_load %parallel_loop3A_832[%parallel_loop3A_833, %parallel_loop3A_834] {strides = array<i32>} : memref<128x128xf32, #tpu.memory_space<vmem>>, vector<16xf32>,
          tpu.vector_store %parallel_loop3A_832[%parallel_loop3A_833, %parallel_loop3A_834], %parallel_loop3A_824 {strides = array<i32>} : memref<128x128xf32, #tpu.memory_space<vmem>>, vector<16xf32>,
        } {sc.loop_unroll_factor = 4 : i64, sc.parallel_access}
        "tpu.trace_stop"() : () -> ()
        %ne3A_516 = arith.cmpi ne, %add3A_283, %add3A_301 : i32
        %or3A_517 = arith.constant false
        %or3A_518 = arith.ori %or3A_517, %ne3A_516 : i1
        %or3A_519 = arith.ori %or3A_518, %eq3A_282 : i1
        %convert_element_type3A_520 = arith.extui %or3A_519 : i1 to i32
        %cond3A_521 = arith.constant 0 : i32
        %cond3A_522 = arith.cmpi ne, %convert_element_type3A_520, %cond3A_521 : i32
        scf.if %cond3A_522 {
        } else {
        }
        %and3A_523 = arith.constant false
        %and3A_524 = arith.andi %or3A_519, %and3A_523 : i1
        %ne3A_525 = arith.cmpi ne, %add3A_283, %add3A_301 : i32
        %or3A_526 = arith.constant false
        %or3A_527 = arith.ori %or3A_526, %ne3A_525 : i1
        %or3A_528 = arith.ori %or3A_527, %eq3A_282 : i1
        %convert_element_type3A_529 = arith.extui %or3A_528 : i1 to i32
        %cond3A_530 = arith.constant 0 : i32
        %cond3A_531 = arith.cmpi ne, %convert_element_type3A_529, %cond3A_530 : i32
        scf.if %cond3A_531 {
        } else {
        }
        %and3A_532 = arith.constant false
        %and3A_533 = arith.andi %or3A_528, %and3A_532 : i1
        %ne3A_534 = arith.cmpi ne, %add3A_283, %add3A_301 : i32
        %or3A_535 = arith.constant false
        %or3A_536 = arith.ori %or3A_535, %ne3A_534 : i1
        %or3A_537 = arith.ori %or3A_536, %eq3A_282 : i1
        %convert_element_type3A_538 = arith.extui %or3A_537 : i1 to i32
        %cond3A_539 = arith.constant 0 : i32
        %cond3A_540 = arith.cmpi ne, %convert_element_type3A_538, %cond3A_539 : i32
        scf.if %cond3A_540 {
        } else {
        }
        %and3A_541 = arith.constant false
        %and3A_542 = arith.andi %or3A_537, %and3A_541 : i1
        %ne3A_543 = arith.cmpi ne, %add3A_283, %add3A_301 : i32
        %or3A_544 = arith.constant false
        %or3A_545 = arith.ori %or3A_544, %ne3A_543 : i1
        %or3A_546 = arith.ori %or3A_545, %eq3A_282 : i1
        %convert_element_type3A_547 = arith.extui %or3A_546 : i1 to i32
        %cond3A_548 = arith.constant 0 : i32
        %cond3A_549 = arith.cmpi ne, %convert_element_type3A_547, %cond3A_548 : i32
        scf.if %cond3A_549 {
        } else {
        }
        %and3A_550 = arith.constant false
        %and3A_551 = arith.andi %or3A_546, %and3A_550 : i1
        %ne3A_552 = arith.cmpi ne, %add3A_283, %add3A_301 : i32
        %or3A_553 = arith.constant false
        %or3A_554 = arith.ori %or3A_553, %ne3A_552 : i1
        %or3A_555 = arith.ori %or3A_554, %eq3A_282 : i1
        %convert_element_type3A_556 = arith.extui %or3A_555 : i1 to i32
        %cond3A_557 = arith.constant 0 : i32
        %cond3A_558 = arith.cmpi ne, %convert_element_type3A_556, %cond3A_557 : i32
        scf.if %cond3A_558 {
        } else {
        }
        %and3A_559 = arith.constant false
        %and3A_560 = arith.andi %or3A_555, %and3A_559 : i1
        %ne3A_561 = arith.cmpi ne, %add3A_283, %add3A_301 : i32
        %or3A_562 = arith.constant false
        %or3A_563 = arith.ori %or3A_562, %ne3A_561 : i1
        %or3A_564 = arith.ori %or3A_563, %eq3A_282 : i1
        %convert_element_type3A_565 = arith.extui %or3A_564 : i1 to i32
        %cond3A_566 = arith.constant 0 : i32
        %cond3A_567 = arith.cmpi ne, %convert_element_type3A_565, %cond3A_566 : i32
        scf.if %cond3A_567 {
        } else {
        }
        %and3A_568 = arith.constant false
        %and3A_569 = arith.andi %or3A_564, %and3A_568 : i1
        %ne3A_570 = arith.cmpi ne, %add3A_283, %add3A_301 : i32
        %or3A_571 = arith.constant false
        %or3A_572 = arith.ori %or3A_571, %ne3A_570 : i1
        %or3A_573 = arith.ori %or3A_572, %eq3A_282 : i1
        %convert_element_type3A_574 = arith.extui %or3A_573 : i1 to i32
        %cond3A_575 = arith.constant 0 : i32
        %cond3A_576 = arith.cmpi ne, %convert_element_type3A_574, %cond3A_575 : i32
        scf.if %cond3A_576 {
        } else {
        }
        %and3A_577 = arith.constant false
        %and3A_578 = arith.andi %or3A_573, %and3A_577 : i1
        %ne3A_579 = arith.cmpi ne, %add3A_283, %add3A_301 : i32
        %or3A_580 = arith.constant false
        %or3A_581 = arith.ori %or3A_580, %ne3A_579 : i1
        %or3A_582 = arith.constant false
        %or3A_583 = arith.ori %or3A_581, %or3A_582 : i1
        %or3A_584 = arith.ori %or3A_583, %eq3A_282 : i1
        %convert_element_type3A_585 = arith.extui %or3A_584 : i1 to i32
        %cond3A_586 = arith.constant 0 : i32
        %cond3A_587 = arith.cmpi ne, %convert_element_type3A_585, %cond3A_586 : i32
        scf.if %cond3A_587 {
          "tpu.trace_start"() <{level = 10 : i32, message = "ep_copy_out"}> : () -> ()
          %rem3A_743 = arith.constant 2 : i32
          %rem3A_744 = arith.remui %scan3A_276, %rem3A_743 : i32
          %mul3A_745 = arith.constant 128 : i32
          %mul3A_746 = arith.muli %mul3A_745, %add3A_283 : i32
          %dma_start3A_747 = arith.constant 0 : i32
          %dma_start3A_748 = arith.constant 0 : i32
          %dma_start3A_749 = tpu.memref_slice %run_scoped3A_20[%rem3A_744, %dma_start3A_747, %dma_start3A_748] : memref<2x128x128xf32, #tpu.memory_space<vmem>> -> memref<1x128x128xf32, #tpu.memory_space<vmem>>
          %dma_start3A_750 = tpu.memref_squeeze %dma_start3A_749 : memref<1x128x128xf32, #tpu.memory_space<vmem>> -> memref<128x128xf32, #tpu.memory_space<vmem>>
          %dma_start3A_751 = arith.constant 0 : i32
          %dma_start3A_752 = tpu.memref_slice %arg11[%mul3A_746, %dma_start3A_751] : memref<32768x128xf32, #tpu.memory_space<hbm>> -> memref<128x128xf32, #tpu.memory_space<hbm>>
          %dma_start3A_753 = tpu.memref_slice %run_scoped3A_21[%rem3A_744] : memref<2x!tpu.dma_semaphore, #tpu.memory_space<semaphore_mem>> -> memref<1x!tpu.dma_semaphore, #tpu.memory_space<semaphore_mem>>
          %dma_start3A_754 = tpu.memref_squeeze %dma_start3A_753 : memref<1x!tpu.dma_semaphore, #tpu.memory_space<semaphore_mem>> -> memref<!tpu.dma_semaphore, #tpu.memory_space<semaphore_mem>>
          %dma_start3A_755 = arith.constant 0 : i32
          %dma_start3A_756 = tpu.memref_slice %arg11[%mul3A_746, %dma_start3A_755] : memref<32768x128xf32, #tpu.memory_space<hbm>> -> memref<128x128xf32, #tpu.memory_space<hbm>>
          %dma_start3A_757 = arith.constant 0 : i32
          %dma_start3A_758 = arith.constant 0 : i32
          %dma_start3A_759 = tpu.memref_slice %run_scoped3A_20[%rem3A_744, %dma_start3A_757, %dma_start3A_758] : memref<2x128x128xf32, #tpu.memory_space<vmem>> -> memref<1x128x128xf32, #tpu.memory_space<vmem>>
          %dma_start3A_760 = tpu.memref_squeeze %dma_start3A_759 : memref<1x128x128xf32, #tpu.memory_space<vmem>> -> memref<128x128xf32, #tpu.memory_space<vmem>>
          tpu.enqueue_dma source(%dma_start3A_760 : memref<128x128xf32, #tpu.memory_space<vmem>>) target(%dma_start3A_756 : memref<128x128xf32, #tpu.memory_space<hbm>>) target_semaphore(%dma_start3A_754 : memref<!tpu.dma_semaphore, #tpu.memory_space<semaphore_mem>>)
          "tpu.trace_stop"() : () -> ()
        } else {
        }
        %and3A_588 = arith.constant true
        %and3A_589 = arith.andi %or3A_584, %and3A_588 : i1
        %add3A_590 = arith.constant 1 : i32
        %add3A_591 = arith.addi %scan3A_276, %add3A_590 : i32
        %select_n3A_592 = arith.select %and3A_589, %add3A_591, %scan3A_276 : i32
        %ne3A_593 = arith.cmpi ne, %add3A_283, %add3A_292 : i32
        %or3A_594 = arith.constant false
        %or3A_595 = arith.ori %or3A_594, %ne3A_593 : i1
        %not3A_596 = arith.constant true
        %not3A_597 = arith.xori %eq3A_280, %not3A_596 : i1
        %and3A_598 = arith.andi %or3A_595, %not3A_597 : i1
        %convert_element_type3A_599 = arith.extui %and3A_598 : i1 to i32
        %cond3A_600 = arith.constant 0 : i32
        %cond3A_601 = arith.cmpi ne, %convert_element_type3A_599, %cond3A_600 : i32
        scf.if %cond3A_601 {
        } else {
        }
        %and3A_602 = arith.constant false
        %and3A_603 = arith.andi %and3A_598, %and3A_602 : i1
        %ne3A_604 = arith.cmpi ne, %add3A_283, %add3A_292 : i32
        %or3A_605 = arith.constant false
        %or3A_606 = arith.ori %or3A_605, %ne3A_604 : i1
        %not3A_607 = arith.constant true
        %not3A_608 = arith.xori %eq3A_280, %not3A_607 : i1
        %and3A_609 = arith.andi %or3A_606, %not3A_608 : i1
        %convert_element_type3A_610 = arith.extui %and3A_609 : i1 to i32
        %cond3A_611 = arith.constant 0 : i32
        %cond3A_612 = arith.cmpi ne, %convert_element_type3A_610, %cond3A_611 : i32
        scf.if %cond3A_612 {
        } else {
        }
        %and3A_613 = arith.constant false
        %and3A_614 = arith.andi %and3A_609, %and3A_613 : i1
        %ne3A_615 = arith.cmpi ne, %add3A_283, %add3A_292 : i32
        %or3A_616 = arith.constant false
        %or3A_617 = arith.ori %or3A_616, %ne3A_615 : i1
        %not3A_618 = arith.constant true
        %not3A_619 = arith.xori %eq3A_280, %not3A_618 : i1
        %and3A_620 = arith.andi %or3A_617, %not3A_619 : i1
        %convert_element_type3A_621 = arith.extui %and3A_620 : i1 to i32
        %cond3A_622 = arith.constant 0 : i32
        %cond3A_623 = arith.cmpi ne, %convert_element_type3A_621, %cond3A_622 : i32
        scf.if %cond3A_623 {
        } else {
        }
        %and3A_624 = arith.constant false
        %and3A_625 = arith.andi %and3A_620, %and3A_624 : i1
        %ne3A_626 = arith.cmpi ne, %add3A_283, %add3A_292 : i32
        %or3A_627 = arith.constant false
        %or3A_628 = arith.ori %or3A_627, %ne3A_626 : i1
        %not3A_629 = arith.constant true
        %not3A_630 = arith.xori %eq3A_280, %not3A_629 : i1
        %and3A_631 = arith.andi %or3A_628, %not3A_630 : i1
        %convert_element_type3A_632 = arith.extui %and3A_631 : i1 to i32
        %cond3A_633 = arith.constant 0 : i32
        %cond3A_634 = arith.cmpi ne, %convert_element_type3A_632, %cond3A_633 : i32
        scf.if %cond3A_634 {
        } else {
        }
        %and3A_635 = arith.constant false
        %and3A_636 = arith.andi %and3A_631, %and3A_635 : i1
        %ne3A_637 = arith.cmpi ne, %add3A_283, %add3A_292 : i32
        %or3A_638 = arith.constant false
        %or3A_639 = arith.ori %or3A_638, %ne3A_637 : i1
        %not3A_640 = arith.constant true
        %not3A_641 = arith.xori %eq3A_280, %not3A_640 : i1
        %and3A_642 = arith.andi %or3A_639, %not3A_641 : i1
        %convert_element_type3A_643 = arith.extui %and3A_642 : i1 to i32
        %cond3A_644 = arith.constant 0 : i32
        %cond3A_645 = arith.cmpi ne, %convert_element_type3A_643, %cond3A_644 : i32
        scf.if %cond3A_645 {
        } else {
        }
        %and3A_646 = arith.constant false
        %and3A_647 = arith.andi %and3A_642, %and3A_646 : i1
        %ne3A_648 = arith.cmpi ne, %add3A_283, %add3A_292 : i32
        %or3A_649 = arith.constant false
        %or3A_650 = arith.ori %or3A_649, %ne3A_648 : i1
        %not3A_651 = arith.constant true
        %not3A_652 = arith.xori %eq3A_280, %not3A_651 : i1
        %and3A_653 = arith.andi %or3A_650, %not3A_652 : i1
        %convert_element_type3A_654 = arith.extui %and3A_653 : i1 to i32
        %cond3A_655 = arith.constant 0 : i32
        %cond3A_656 = arith.cmpi ne, %convert_element_type3A_654, %cond3A_655 : i32
        scf.if %cond3A_656 {
        } else {
        }
        %and3A_657 = arith.constant false
        %and3A_658 = arith.andi %and3A_653, %and3A_657 : i1
        %ne3A_659 = arith.cmpi ne, %add3A_283, %add3A_292 : i32
        %or3A_660 = arith.constant false
        %or3A_661 = arith.ori %or3A_660, %ne3A_659 : i1
        %not3A_662 = arith.constant true
        %not3A_663 = arith.xori %eq3A_280, %not3A_662 : i1
        %and3A_664 = arith.andi %or3A_661, %not3A_663 : i1
        %convert_element_type3A_665 = arith.extui %and3A_664 : i1 to i32
        %cond3A_666 = arith.constant 0 : i32
        %cond3A_667 = arith.cmpi ne, %convert_element_type3A_665, %cond3A_666 : i32
        scf.if %cond3A_667 {
        } else {
        }
        %and3A_668 = arith.constant false
        %and3A_669 = arith.andi %and3A_664, %and3A_668 : i1
        %ne3A_670 = arith.cmpi ne, %add3A_283, %add3A_292 : i32
        %or3A_671 = arith.constant false
        %or3A_672 = arith.ori %or3A_671, %ne3A_670 : i1
        %or3A_673 = arith.constant false
        %or3A_674 = arith.ori %or3A_672, %or3A_673 : i1
        %not3A_675 = arith.constant true
        %not3A_676 = arith.xori %eq3A_280, %not3A_675 : i1
        %and3A_677 = arith.andi %or3A_674, %not3A_676 : i1
        %convert_element_type3A_678 = arith.extui %and3A_677 : i1 to i32
        %cond3A_679 = arith.constant 0 : i32
        %cond3A_680 = arith.cmpi ne, %convert_element_type3A_678, %cond3A_679 : i32
        scf.if %cond3A_680 {
          "tpu.trace_start"() <{level = 10 : i32, message = "ep_wait_out"}> : () -> ()
          %rem3A_743 = arith.constant 2 : i32
          %rem3A_744 = arith.remui %scan3A_277, %rem3A_743 : i32
          %mul3A_745 = arith.constant 128 : i32
          %mul3A_746 = arith.muli %mul3A_745, %add3A_292 : i32
          %dma_wait3A_747 = arith.constant 0 : i32
          %dma_wait3A_748 = arith.constant 0 : i32
          %dma_wait3A_749 = tpu.memref_slice %run_scoped3A_20[%rem3A_744, %dma_wait3A_747, %dma_wait3A_748] : memref<2x128x128xf32, #tpu.memory_space<vmem>> -> memref<1x128x128xf32, #tpu.memory_space<vmem>>
          %dma_wait3A_750 = tpu.memref_squeeze %dma_wait3A_749 : memref<1x128x128xf32, #tpu.memory_space<vmem>> -> memref<128x128xf32, #tpu.memory_space<vmem>>
          %dma_wait3A_751 = arith.constant 0 : i32
          %dma_wait3A_752 = tpu.memref_slice %arg11[%mul3A_746, %dma_wait3A_751] : memref<32768x128xf32, #tpu.memory_space<hbm>> -> memref<128x128xf32, #tpu.memory_space<hbm>>
          %dma_wait3A_753 = tpu.memref_slice %run_scoped3A_21[%rem3A_744] : memref<2x!tpu.dma_semaphore, #tpu.memory_space<semaphore_mem>> -> memref<1x!tpu.dma_semaphore, #tpu.memory_space<semaphore_mem>>
          %dma_wait3A_754 = tpu.memref_squeeze %dma_wait3A_753 : memref<1x!tpu.dma_semaphore, #tpu.memory_space<semaphore_mem>> -> memref<!tpu.dma_semaphore, #tpu.memory_space<semaphore_mem>>
          %dma_wait3A_755 = arith.constant 0 : i32
          %dma_wait3A_756 = tpu.memref_slice %arg11[%mul3A_746, %dma_wait3A_755] : memref<32768x128xf32, #tpu.memory_space<hbm>> -> memref<128x128xf32, #tpu.memory_space<hbm>>
          %dma_wait3A_757 = arith.constant 0 : i32
          %dma_wait3A_758 = arith.constant 0 : i32
          %dma_wait3A_759 = tpu.memref_slice %run_scoped3A_20[%rem3A_744, %dma_wait3A_757, %dma_wait3A_758] : memref<2x128x128xf32, #tpu.memory_space<vmem>> -> memref<1x128x128xf32, #tpu.memory_space<vmem>>
          %dma_wait3A_760 = tpu.memref_squeeze %dma_wait3A_759 : memref<1x128x128xf32, #tpu.memory_space<vmem>> -> memref<128x128xf32, #tpu.memory_space<vmem>>
          tpu.wait_dma2 semaphore(%dma_wait3A_754 : memref<!tpu.dma_semaphore, #tpu.memory_space<semaphore_mem>>) src(%dma_wait3A_760 : memref<128x128xf32, #tpu.memory_space<vmem>>) dst(%dma_wait3A_756 : memref<128x128xf32, #tpu.memory_space<hbm>>)
          "tpu.trace_stop"() : () -> ()
        } else {
        }
        %and3A_681 = arith.constant true
        %and3A_682 = arith.andi %and3A_677, %and3A_681 : i1
        %add3A_683 = arith.constant 1 : i32
        %add3A_684 = arith.addi %scan3A_277, %add3A_683 : i32
        %select_n3A_685 = arith.select %and3A_682, %add3A_684, %scan3A_277 : i32
        %ne3A_686 = arith.cmpi ne, %add3A_283, %add3A_301 : i32
        %or3A_687 = arith.constant false
        %or3A_688 = arith.ori %or3A_687, %ne3A_686 : i1
        %or3A_689 = arith.ori %or3A_688, %eq3A_282 : i1
        %add3A_690 = arith.constant 1 : i32
        %add3A_691 = arith.addi %scan3A_263, %add3A_690 : i32
        %select_n3A_692 = arith.select %or3A_689, %add3A_691, %scan3A_263 : i32
        %ne3A_693 = arith.cmpi ne, %add3A_283, %add3A_301 : i32
        %or3A_694 = arith.constant false
        %or3A_695 = arith.ori %or3A_694, %ne3A_693 : i1
        %or3A_696 = arith.ori %or3A_695, %eq3A_282 : i1
        %add3A_697 = arith.constant 1 : i32
        %add3A_698 = arith.addi %scan3A_265, %add3A_697 : i32
        %select_n3A_699 = arith.select %or3A_696, %add3A_698, %scan3A_265 : i32
        %ne3A_700 = arith.cmpi ne, %add3A_283, %add3A_301 : i32
        %or3A_701 = arith.constant false
        %or3A_702 = arith.ori %or3A_701, %ne3A_700 : i1
        %or3A_703 = arith.ori %or3A_702, %eq3A_282 : i1
        %add3A_704 = arith.constant 1 : i32
        %add3A_705 = arith.addi %scan3A_267, %add3A_704 : i32
        %select_n3A_706 = arith.select %or3A_703, %add3A_705, %scan3A_267 : i32
        %ne3A_707 = arith.cmpi ne, %add3A_283, %add3A_301 : i32
        %or3A_708 = arith.constant false
        %or3A_709 = arith.ori %or3A_708, %ne3A_707 : i1
        %or3A_710 = arith.ori %or3A_709, %eq3A_282 : i1
        %add3A_711 = arith.constant 1 : i32
        %add3A_712 = arith.addi %scan3A_269, %add3A_711 : i32
        %select_n3A_713 = arith.select %or3A_710, %add3A_712, %scan3A_269 : i32
        %ne3A_714 = arith.cmpi ne, %add3A_283, %add3A_301 : i32
        %or3A_715 = arith.constant false
        %or3A_716 = arith.ori %or3A_715, %ne3A_714 : i1
        %or3A_717 = arith.ori %or3A_716, %eq3A_282 : i1
        %add3A_718 = arith.constant 1 : i32
        %add3A_719 = arith.addi %scan3A_271, %add3A_718 : i32
        %select_n3A_720 = arith.select %or3A_717, %add3A_719, %scan3A_271 : i32
        %ne3A_721 = arith.cmpi ne, %add3A_283, %add3A_301 : i32
        %or3A_722 = arith.constant false
        %or3A_723 = arith.ori %or3A_722, %ne3A_721 : i1
        %or3A_724 = arith.ori %or3A_723, %eq3A_282 : i1
        %add3A_725 = arith.constant 1 : i32
        %add3A_726 = arith.addi %scan3A_273, %add3A_725 : i32
        %select_n3A_727 = arith.select %or3A_724, %add3A_726, %scan3A_273 : i32
        %ne3A_728 = arith.cmpi ne, %add3A_283, %add3A_301 : i32
        %or3A_729 = arith.constant false
        %or3A_730 = arith.ori %or3A_729, %ne3A_728 : i1
        %or3A_731 = arith.ori %or3A_730, %eq3A_282 : i1
        %add3A_732 = arith.constant 1 : i32
        %add3A_733 = arith.addi %scan3A_275, %add3A_732 : i32
        %select_n3A_734 = arith.select %or3A_731, %add3A_733, %scan3A_275 : i32
        %add3A_735 = arith.constant 1 : i32
        %add3A_736 = arith.addi %scan3A_278, %add3A_735 : i32
        %select_n3A_737 = arith.constant true
        %select_n3A_738 = arith.select %select_n3A_737, %add3A_736, %scan3A_278 : i32
        %eq3A_739 = arith.constant 8 : i32
        %eq3A_740 = arith.cmpi eq, %select_n3A_738, %eq3A_739 : i32
        %select_n3A_741 = arith.constant 0 : i32
        %select_n3A_742 = arith.select %eq3A_740, %select_n3A_741, %select_n3A_738 : i32
        scf.yield %select_n3A_319, %select_n3A_692, %select_n3A_335, %select_n3A_699, %select_n3A_351, %select_n3A_706, %select_n3A_367, %select_n3A_713, %select_n3A_383, %select_n3A_720, %select_n3A_399, %select_n3A_727, %select_n3A_415, %select_n3A_734, %select_n3A_592, %select_n3A_685, %select_n3A_742 : i32, i32, i32, i32, i32, i32, i32, i32, i32, i32, i32, i32, i32, i32, i32, i32, i32
      }
      %scan3A_208 = arith.constant 8 : i32
      %sub3A = arith.constant 1 : i32
      %sub3A_209 = arith.subi %scan3A_207#16, %sub3A : i32
      %select_n3A_210 = arith.constant true
      %select_n3A_211 = arith.select %select_n3A_210, %sub3A_209, %scan3A_207#16 : i32
      %eq3A_212 = arith.constant -1 : i32
      %eq3A_213 = arith.cmpi eq, %select_n3A_211, %eq3A_212 : i32
      %select_n3A_214 = arith.constant 7 : i32
      %select_n3A_215 = arith.select %eq3A_213, %select_n3A_214, %select_n3A_211 : i32
      %add3A_216 = arith.addi %select_n3A_215, %mul3A_6 : i32
      %sub3A_217 = arith.constant 1 : i32
      %sub3A_218 = arith.subi %select_n3A_215, %sub3A_217 : i32
      %select_n3A_219 = arith.constant true
      %select_n3A_220 = arith.select %select_n3A_219, %sub3A_218, %select_n3A_215 : i32
      %eq3A_221 = arith.constant -1 : i32
      %eq3A_222 = arith.cmpi eq, %select_n3A_220, %eq3A_221 : i32
      %select_n3A_223 = arith.constant 7 : i32
      %select_n3A_224 = arith.select %eq3A_222, %select_n3A_223, %select_n3A_220 : i32
      %add3A_225 = arith.addi %select_n3A_224, %mul3A_6 : i32
      %add3A_226 = arith.constant 1 : i32
      %add3A_227 = arith.addi %select_n3A_215, %add3A_226 : i32
      %select_n3A_228 = arith.constant true
      %select_n3A_229 = arith.select %select_n3A_228, %add3A_227, %select_n3A_215 : i32
      %eq3A_230 = arith.constant 8 : i32
      %eq3A_231 = arith.cmpi eq, %select_n3A_229, %eq3A_230 : i32
      %select_n3A_232 = arith.constant 0 : i32
      %select_n3A_233 = arith.select %eq3A_231, %select_n3A_232, %select_n3A_229 : i32
      %add3A_234 = arith.addi %select_n3A_233, %mul3A_6 : i32
      %add3A_235 = arith.constant 1 : i32
      %add3A_236 = arith.addi %select_n3A_233, %add3A_235 : i32
      %select_n3A_237 = arith.constant true
      %select_n3A_238 = arith.select %select_n3A_237, %add3A_236, %select_n3A_233 : i32
      %eq3A_239 = arith.constant 8 : i32
      %eq3A_240 = arith.cmpi eq, %select_n3A_238, %eq3A_239 : i32
      %select_n3A_241 = arith.constant 0 : i32
      %select_n3A_242 = arith.select %eq3A_240, %select_n3A_241, %select_n3A_238 : i32
      %add3A_243 = arith.addi %select_n3A_242, %mul3A_6 : i32
      "tpu.trace_start"() <{level = 10 : i32, message = "ep_finalize"}> : () -> ()
      %rem3A_244 = arith.constant 2 : i32
      %rem3A_245 = arith.remui %scan3A_207#15, %rem3A_244 : i32
      %mul3A_246 = arith.constant 128 : i32
      %mul3A_247 = arith.muli %mul3A_246, %add3A_216 : i32
      %dma_wait3A = arith.constant 0 : i32
      %dma_wait3A_248 = arith.constant 0 : i32
      %dma_wait3A_249 = tpu.memref_slice %run_scoped3A_20[%rem3A_245, %dma_wait3A, %dma_wait3A_248] : memref<2x128x128xf32, #tpu.memory_space<vmem>> -> memref<1x128x128xf32, #tpu.memory_space<vmem>>
      %dma_wait3A_250 = tpu.memref_squeeze %dma_wait3A_249 : memref<1x128x128xf32, #tpu.memory_space<vmem>> -> memref<128x128xf32, #tpu.memory_space<vmem>>
      %dma_wait3A_251 = arith.constant 0 : i32
      %dma_wait3A_252 = tpu.memref_slice %arg11[%mul3A_247, %dma_wait3A_251] : memref<32768x128xf32, #tpu.memory_space<hbm>> -> memref<128x128xf32, #tpu.memory_space<hbm>>
      %dma_wait3A_253 = tpu.memref_slice %run_scoped3A_21[%rem3A_245] : memref<2x!tpu.dma_semaphore, #tpu.memory_space<semaphore_mem>> -> memref<1x!tpu.dma_semaphore, #tpu.memory_space<semaphore_mem>>
      %dma_wait3A_254 = tpu.memref_squeeze %dma_wait3A_253 : memref<1x!tpu.dma_semaphore, #tpu.memory_space<semaphore_mem>> -> memref<!tpu.dma_semaphore, #tpu.memory_space<semaphore_mem>>
      %dma_wait3A_255 = arith.constant 0 : i32
      %dma_wait3A_256 = tpu.memref_slice %arg11[%mul3A_247, %dma_wait3A_255] : memref<32768x128xf32, #tpu.memory_space<hbm>> -> memref<128x128xf32, #tpu.memory_space<hbm>>
      %dma_wait3A_257 = arith.constant 0 : i32
      %dma_wait3A_258 = arith.constant 0 : i32
      %dma_wait3A_259 = tpu.memref_slice %run_scoped3A_20[%rem3A_245, %dma_wait3A_257, %dma_wait3A_258] : memref<2x128x128xf32, #tpu.memory_space<vmem>> -> memref<1x128x128xf32, #tpu.memory_space<vmem>>
      %dma_wait3A_260 = tpu.memref_squeeze %dma_wait3A_259 : memref<1x128x128xf32, #tpu.memory_space<vmem>> -> memref<128x128xf32, #tpu.memory_space<vmem>>
      tpu.wait_dma2 semaphore(%dma_wait3A_254 : memref<!tpu.dma_semaphore, #tpu.memory_space<semaphore_mem>>) src(%dma_wait3A_260 : memref<128x128xf32, #tpu.memory_space<vmem>>) dst(%dma_wait3A_256 : memref<128x128xf32, #tpu.memory_space<hbm>>)
      "tpu.trace_stop"() : () -> ()
      tpu.yield
    }) : () -> ()
    return
  }
}

</mosaic_0001>

<sc_bundles>
// kernel: kernel.3.cloned.1.call-start
scs
__scs_entry_jumppad:
0x0: {  	(pc) =	sbr.rel $0x88, $3  }
0x1: {  	(tag) =	ssettag $0x0;
	lr =	simm.s32 $0x1  }
0x2: {  	[smem:$0x3F9C] =	sst lr;
	_ =	strace $0xD0000000  }
0x3: {  	_ = 	snop  }
0x4: {  	_ = 	snop  }
0x5: {  	_ = 	snop  }
0x6: {  	_ = 	snop  }
0x7: {  	_ = 	snop  }
__scs_overlays_trampoline_lowered:
0x8: {  	[smem:$0x3FAB] =	sst s0  }
0x9: {  	[smem:$0x3FAC] =	sst s1  }
0xa: {  	[smem:$0x3FAD] =	sst s2  }
0xb: {  	[smem:$0x3FAE] =	sst s3  }
0xc: {  	[smem:$0x3FAF] =	sst s4  }
0xd: {  	[smem:$0x3FB0] =	sst s5  }
0xe: {  	[smem:$0x3FB1] =	sst s6  }
0xf: {  	[smem:$0x3FB2] =	sst s7  }
0x10: {  	[smem:$0x3FB3] =	sst s8  }
0x11: {  	[smem:$0x3FB4] =	sst s9;
	s0 =	simm.s32 @!p0 $0x0  }
0x12: {  	s1 =	sld [smem:$0x3F9A];
	s0 =	simm.s32 @p0 $0x1  }
0x13: {  	[smem:$0x3FB5] =	sst s0;
	s0 =	simm.s32 @!p1 $0x0  }
0x14: {  	s2 =	sld [smem:$0x3F99];
	s0 =	simm.s32 @p1 $0x1  }
0x15: {  	[smem:$0x3FB6] =	sst s0;
	s0 =	simm.s32 @!p2 $0x0  }
0x16: {  	s3 =	sld [smem:$0x3FDB];
	s0 =	simm.s32 @p2 $0x1  }
0x17: {  	s4 =	simm.s32 $0x1BF5;
	[smem:$0x3FB8] =	sst s0  }
0x18: {  	s0 =	sld [smem:$0x3F9B];
	_ =	swait.ge [sflag:s4], $0x0  }
0x19: {  	s7 =	sld [smem:$0x3F9C]  }
0x1a: {  	s8 =	sadd.s32 $0xFFFFE003, lr  }
0x1b: {  	s9 =	sadd.s32 $0xFFFFFEF7, lr;
	s5 =	simm.s32 $0xFFFFFFFF;
	p2 =	slt.u32 s8, $0xFFFFF086  }
0x1c: {  	p1 =	slt.u32 s9, $0xF7A;
	s5 =	simm.s32 @!p2 $0x0  }
0x1d: {  	s5 =	simm.s32 @p1 $0x1;
	p0 =	seq.s32 s7, s2  }
0x1e: {  	s7 =	smul.u32 @!p0 $0xF7A, s2;
	p2 =	seq.s32 @!p0 s5, $0x0  }
0x1f: {  	s9 =	smul.u32 $0xF7A, s1;
	s8 =	simm.s32 @!p0 $0x1BF5;
	p2 =	por !p2, p0  }
0x20: {  	[sflag:s8] =	ssyncset.s32 @!p0 $0xFFFFF086;
	s6 =	sadd.s32 @!p0 s3, s7;
	s7 =	simm.s32 @!p0 $0x108  }
0x21: {  	s3 =	sadd.s32 s3, s9;
	s6 =	sadd.s32 @!p0 $0x88, s6;
	s7 =	simm.s32 @p2 $0x1082  }
0x22: {  	[simem:s7], [sflag:s8] =	dma.local @!p0 [hbm:s6], $0xF7A  }
0x23: {  	s9 =	sor.u32 $0xD0000000, s2;
	s6 =	simm.s32 $0x108;
	_ =	swait.ge @!p0 [sflag:s8], $0x0  }
0x24: {  	s3 =	sadd.s32 $0x88, s3;
	s6 =	simm.s32 @!p1 $0x1082;
	[sflag:s4] =	ssyncset.s32 $0xFFFFF086  }
0x25: {  	[simem:s6], [sflag:s4] =	dma.local [hbm:s3], $0xF7A  }
0x26: {  	[smem:$0x3F9C] =	sst s1;
	(tag) =	ssettag s2;
	_ =	strace s9  }
0x27: {  	s1 =	sld [smem:$0x3FAC]  }
0x28: {  	s2 =	sld [smem:$0x3FAD]  }
0x29: {  	s4 =	sld [smem:$0x3FAF]  }
0x2a: {  	p0 =	seq.s32 s5, $0x0;
	s5 =	sld [smem:$0x3FB0]  }
0x2b: {  	s6 =	sld [smem:$0x3FB1]  }
0x2c: {  	s7 =	sld [smem:$0x3FB2]  }
0x2d: {  	s3 =	simm.s32 $0x108;
	s8 =	sld [smem:$0x3FB3]  }
0x2e: {  	s3 =	simm.s32 @!p0 $0x1082;
	s9 =	sld [smem:$0x3FB4]  }
0x2f: {  	lr =	sadd.s32 s0, s3;
	s0 =	sld [smem:$0x3FAB]  }
0x30: {  	s3 =	sld [smem:$0x3FAE]  }
0x31: {  	[smem:$0x3FB7] =	sst s10  }
0x32: {  	s10 =	sld [smem:$0x3FB5];
	_ =	sdelay $0x3  }
0x33: {  	p0 =	seq.s32 s10, $0x1;
	s10 =	sld [smem:$0x3FB7];
	_ =	sdelay $0x3  }
0x34: {  	[smem:$0x3FB7] =	sst s10  }
0x35: {  	s10 =	sld [smem:$0x3FB6];
	_ =	sdelay $0x3  }
0x36: {  	p1 =	seq.s32 s10, $0x1;
	s10 =	sld [smem:$0x3FB7];
	_ =	sdelay $0x3  }
0x37: {  	[smem:$0x3FB7] =	sst s10  }
0x38: {  	s10 =	sld [smem:$0x3FB8]  }
0x39: {  	_ = 	snop;
	(pc) =	sbr.ind lr, $3  }
0x3a: {  	_ = 	snop  }
0x3b: {  	_ = 	snop  }
0x3c: {  	p2 =	seq.s32 s10, $0x1;
	s10 =	sld [smem:$0x3FB7]  }
0x3d: {  	_ =	shalt  }
0x3e: {  	_ =	shalt  }
0x3f: {  	_ =	shalt  }
0x40: {  	_ =	shalt  }
0x41: {  	_ =	shalt  }
0x42: {  	_ =	shalt  }
0x43: {  	_ =	shalt  }
0x44: {  	_ =	shalt  }
0x45: {  	_ =	shalt  }
0x46: {  	_ =	shalt  }
0x47: {  	_ =	shalt  }
0x48: {  	_ =	shalt  }
0x49: {  	_ =	shalt  }
0x4a: {  	_ =	shalt  }
0x4b: {  	_ =	shalt  }
0x4c: {  	_ =	shalt  }
0x4d: {  	_ =	shalt  }
0x4e: {  	_ =	shalt  }
0x4f: {  	_ =	shalt  }
0x50: {  	_ =	shalt  }
0x51: {  	_ =	shalt  }
0x52: {  	_ =	shalt  }
0x53: {  	_ =	shalt  }
0x54: {  	_ =	shalt  }
0x55: {  	_ =	shalt  }
0x56: {  	_ =	shalt  }
0x57: {  	_ =	shalt  }
0x58: {  	_ =	shalt  }
0x59: {  	_ =	shalt  }
0x5a: {  	_ =	shalt  }
0x5b: {  	_ =	shalt  }
0x5c: {  	_ =	shalt  }
0x5d: {  	_ =	shalt  }
0x5e: {  	_ =	shalt  }
0x5f: {  	_ =	shalt  }
0x60: {  	_ =	shalt  }
0x61: {  	_ =	shalt  }
0x62: {  	_ =	shalt  }
0x63: {  	_ =	shalt  }
0x64: {  	_ =	shalt  }
0x65: {  	_ =	shalt  }
0x66: {  	_ =	shalt  }
0x67: {  	_ =	shalt  }
0x68: {  	_ =	shalt  }
0x69: {  	_ =	shalt  }
0x6a: {  	_ =	shalt  }
0x6b: {  	_ =	shalt  }
0x6c: {  	_ =	shalt  }
0x6d: {  	_ =	shalt  }
0x6e: {  	_ =	shalt  }
0x6f: {  	_ =	shalt  }
0x70: {  	_ =	shalt  }
0x71: {  	_ =	shalt  }
0x72: {  	_ =	shalt  }
0x73: {  	_ =	shalt  }
0x74: {  	_ =	shalt  }
0x75: {  	_ =	shalt  }
0x76: {  	_ =	shalt  }
0x77: {  	_ =	shalt  }
0x78: {  	_ =	shalt  }
0x79: {  	_ =	shalt  }
0x7a: {  	_ =	shalt  }
0x7b: {  	_ =	shalt  }
0x7c: {  	_ =	shalt  }
0x7d: {  	_ =	shalt  }
0x7e: {  	_ =	shalt  }
0x7f: {  	_ =	shalt  }
0x80: {  	_ =	shalt  }
0x81: {  	_ =	shalt  }
0x82: {  	_ =	shalt  }
0x83: {  	_ =	shalt  }
0x84: {  	_ =	shalt  }
0x85: {  	_ =	shalt  }
0x86: {  	_ =	shalt  }
0x87: {  	_ =	shalt  }
.Lfunc_end0:
.L_simem_size_0:
called_computation_lowered:
.L_overlay_start_0:
0x88: {  	s2 =	sld [smem:$0x3FD9]  }
0x89: {  	s3 =	sld [smem:$0x3FFE];
	_ =	sdelay $0x1  }
0x8a: {  	s1 =	srdreg.scid  }
0x8b: {  	s0 =	sand.u32 $0x1, s1  }
0x8c: {  	s17 =	sshll.u32 s0, $0xA;
	s2 =	sadd.s32 s3, s2  }
0x8d: {  	s2 =	sadd.s32 s2, s17  }
0x8e: {  	[smem:$0x3FC3] =	sst s2  }
0x8f: {  	_ = 	snop  }
0x90: {  	s2 =	sld [smem:$0x3FC7]  }
0x91: {  	s18 =	sld [smem:$0x3FD0];
	(tm) =	ssettm $0x1  }
0x92: {  	s4 =	sld [smem:$0x3FFB];
	_ =	sdelay $0x3  }
0x93: {  	_ =	strace s4  }
0x94: {  	s4 =	sld [smem:$0x3FFC];
	_ =	sdelay $0x3  }
0x95: {  	_ =	strace s4  }
0x96: {  	s4 =	sld [smem:$0x3FFD];
	_ =	sdelay $0x3  }
0x97: {  	_ =	strace s4  }
0x98: {  	_ =	strace $0x8FFFFFFF  }
0x99: {  	s19 =	sld [smem:$0x3FDB];
	_ =	sdelay $0x1  }
0x9a: {  	s5 =	simm.s32 $_scs_section_size  }
0x9b: {  	s6 =	simm.s32 $_size__tile_overlayer_lowered;
	s7 =	simm.s32 $_tile_overlayer_lowered  }
0x9c: {  	s22 =	simm.s32 $0x1BFF;
	s21 =	sshll.u32 s7, $0x1;
	s4 =	sadd.s32 s5, s19  }
0x9d: {  	s8 =	simm.s32 $0x0;
	s20 =	sshll.u32 s6, $0x1;
	s6 =	sadd.s32 s21, s4  }
0x9e: {  	[timem:s8], [sflag:s22] =	dma.local [hbm:s6], s20  }
0x9f: {  	_ =	swait.ge [sflag:s22], s20  }
0xa0: {  	s5 =	ssub.s32 $0x0, s20;
	[sflag:s22] =	ssyncset.done $0x0  }
0xa1: {  	[sflag:s22] =	ssyncadd.s32 s5;
	_ =	sdelay $0x1  }
0xa2: {  	s23 =	simm.s32 $0x1B8B  }
0xa3: {  	_ =	swait.ge [sflag:s23], $0x1  }
0xa4: {  	[sflag:s23] =	ssyncset.done $0x0  }
0xa5: {  	s25 =	simm.s32 $0x1B8E;
	s24 =	sld [smem:$0x3FFE];
	[sflag:s23] =	ssyncadd.s32 $0xFFFFFFFF  }
0xa6: {  	s26 =	simm.s32 $execute0_lowered;
	[smem:$0x3FD2] =	sst s25  }
0xa7: {  	s6 =	sshll.u32 s26, $0x1;
	_ =	strace $0x80000046;
	[dreg:$0x1] =	wrdreg $0xFFFFFFFF  }
0xa8: {  	s28 =	simm.s32 $_size_execute0_lowered;
	s4 =	sadd.s32 s4, s6;
	[dreg:$0x0] =	wrdreg $0x0  }
0xa9: {  	s6 =	sshll.u32 s28, $0x1;
	[dreg:$0x2] =	wrdreg s4  }
0xaa: {  	[dreg:$0x3] =	wrdreg s6  }
0xab: {  	[dreg:$0x4] =	wrdreg $0xC0  }
0xac: {  	_ =	task [dreg:s8], $0x5FFFF  }
0xad: {  	[dreg:$0x1] =	wrdreg $0xFFFFFFFF  }
0xae: {  	[dreg:$0x0] =	wrdreg $0x60  }
0xaf: {  	[dreg:$0x2] =	wrdreg s24  }
0xb0: {  	[dreg:$0x3] =	wrdreg s2  }
0xb1: {  	[dreg:$0x4] =	wrdreg s18  }
0xb2: {  	[dreg:$0x5] =	wrdreg $0x9  }
0xb3: {  	_ =	task.clear_ibuf [dreg:s8], $0x6FFFF;
	_ =	strace $0x90000046  }
0xb4: {  	s29 =	simm.s32 $0x9;
	_ =	strace $0x8000005B  }
0xb5: {  	_ =	swait.ge [sflag:s29], $0x1  }
0xb6: {  	[sflag:s29] =	ssyncadd.s32 $0xFFFFFFFF  }
0xb7: {  	_ =	strace $0x9000005B  }
0xb8: {  	_ =	sfence  }
0xb9: {  	s30 =	sld [smem:$0x0];
	_ =	sdelay $0x2  }
0xba: {  	s31 =	sshll.u32 s1, $0xD;
	s1 =	sshrl.u32 s1, $0x2  }
0xbb: {  	s3 =	sand.u32 $0x4000, s31;
	s1 =	sadd.s32 s1, s30  }
0xbc: {  	s0 =	sor.u32 s3, s0;
	s1 =	sshll.u32 s1, $0x11  }
0xbd: {  	s0 =	sor.u32 s1, s0  }
0xbe: {  	s0 =	sadd.s32 $0x8F2B, s0  }
0xbf: {  	[sflag:s0] =	ssyncadd.remote.s32 $0x1  }
0xc0: {  	_ =	sfence.sel $0xFFFF  }
0xc1: {  	[dreg:$0x0] =	wrdreg $0xFFFFFFFF;
	(pc) =	sbr.abs _section_cstart, $3  }
0xc2: {  	[dreg:$0x1] =	wrdreg $0xFFFFFFFF  }
0xc3: {  	_ =	task.clear_ibuf [dreg:s8], $0x2FFFF;
	_ =	strace $0x9FFFFFFF  }
0xc4: {  	(tm) =	ssettm $0x7FFFFFFF  }
0xc5: {  	_ =	shalt  }
tec
execute0_lowered:
.L_overlay_start_1:
0x0: {  	(tag) =	ssettag $0x1  }
0x1: {  	s0 =	rddreg [dreg:$0x0]  }
0x2: {  	s5 =	rddreg [dreg:$0x1];
	s3 =	simm.s32 $0x0  }
0x3: {  	[smem:$0x7FF] =	sst s3;
	s6 =	sadd.s32 $0x40E00, s0  }
0x4: {  	s7 =	sadd.s32 $0x20E00, s0;
	s8 =	sadd.s32 $0xE00, s0;
	s9 =	sadd.s32 $0xA0E00, s0  }
0x5: {  	s10 =	sadd.s32 $0x80E00, s0;
	s11 =	sadd.s32 $0x60E00, s0;
	s12 =	sadd.s32 $0xA00, s0  }
0x6: {  	s0 =	sadd.s32 $0xC00, s0;
	_ =	strace $0x80000047;
	[dreg:$0xa] =	wrdreg s12  }
0x7: {  	[dreg:$0xb] =	wrdreg s0  }
0x8: {  	[dreg:$0x4] =	wrdreg s6  }
0x9: {  	s1 =	srdreg.scid;
	[dreg:$0x5] =	wrdreg s7  }
0xa: {  	s1 =	sand.u32 $0x1, s1;
	[dreg:$0x6] =	wrdreg s8  }
0xb: {  	s4 =	stileid.u32;
	s2 =	sshll.u32 s1, $0x4;
	[dreg:$0x7] =	wrdreg s9  }
0xc: {  	[dreg:$0x8] =	wrdreg s10;
	s2 =	sor.u32 s4, s2  }
0xd: {  	[dreg:$0x9] =	wrdreg s11;
	s4 =	sshll.u32 s2, $0xC;
	s26 =	sshll.u32 s2, $0x3  }
0xe: {  	s23 =	sadd.s32 s5, s4;
	[dreg:$0xc] =	wrdreg s26  }
0xf: {  	s24 =	sadd.s32 s6, s4;
	[dreg:$0xd] =	wrdreg s23  }
0x10: {  	s25 =	sadd.s32 s7, s4;
	[dreg:$0xe] =	wrdreg s24  }
0x11: {  	s28 =	sadd.s32 s8, s4;
	[dreg:$0xf] =	wrdreg s25  }
0x12: {  	s1 =	ssub.s32 $0x2, s1;
	s29 =	sadd.s32 s9, s4;
	[dreg:$0x10] =	wrdreg s28  }
0x13: {  	s22 =	sshrl.u32 s1, $0x1;
	s30 =	sadd.s32 s10, s4;
	[dreg:$0x11] =	wrdreg s29  }
0x14: {  	s0 =	ssub.s32 s1, s22;
	s31 =	sadd.s32 s11, s4;
	[dreg:$0x12] =	wrdreg s30  }
0x15: {  	s0 =	smax.u32 s0, $0x1;
	[dreg:$0x13] =	wrdreg s31  }
0x16: {  	s22 =	simm.s32 $0x400;
	s1 =	simm.s32 $0x0;
	[dreg:$0x14] =	wrdreg s0  }
.LBB2_1:
0x17: {  	[dreg:$0x15] =	wrdreg s1  }
0x18: {  	s0 =	rddreg [dreg:$0xa];
	s10 =	simm.s32 $0x1  }
0x19: {  	[tilespmem:s3], [sflag:$0x1] =	stream.linear.gather [hbm4b:s0+s3], $0x400, $0x38;
	[tilespmem:$0x16800] =	vst v63  }
0x1a: {  	_ =	swait.ge [sflag:s10], $0x400  }
0x1b: {  	[sflag:s10] =	ssyncset.done $0x0  }
0x1c: {  	s11 =	rddreg [dreg:$0xb];
	[sflag:s10] =	ssyncadd.s32 $0xFFFFFC00  }
0x1d: {  	[tilespmem:s22], [sflag:$0x1] =	stream.linear.gather [hbm4b:s11+s3], $0x400, $0x38;
	[tilespmem:$0x16800] =	vst v63  }
0x1e: {  	_ =	swait.ge [sflag:s10], $0x400  }
0x1f: {  	[sflag:s10] =	ssyncset.done $0x0  }
0x20: {  	s13 =	simm.s32 $0x800;
	[sflag:s10] =	ssyncadd.s32 $0xFFFFFC00  }
0x21: {  	s15 =	simm.s32 $0x2800;
	s17 =	simm.s32 $0x4800;
	_ =	strace $0x80000048  }
0x22: {  	s19 =	simm.s32 $0x6800;
	s21 =	simm.s32 $0x8800;
	s12 =	rddreg [dreg:$0xd]  }
0x23: {  	s24 =	simm.s32 $0xA800;
	s29 =	simm.s32 $0xC800;
	s14 =	rddreg [dreg:$0xe]  }
0x24: {  	s31 =	simm.s32 $0x0;
	s6 =	simm.s32 $0x1;
	s16 =	rddreg [dreg:$0xf]  }
0x25: {  	[tilespmem:s13], [sflag:$0x1] =	stream.linear.gather [hbm4b:s12+s3], $0x1000, $0x200038;
	[tilespmem:$0x16800] =	vst v63  }
0x26: {  	s28 =	simm.s32 $0x0;
	s7 =	simm.s32 $0x1;
	s18 =	rddreg [dreg:$0x10]  }
0x27: {  	[tilespmem:s15], [sflag:$0x3] =	stream.linear.gather [hbm4b:s14+s3], $0x1000, $0x200038;
	[tilespmem:$0x16800] =	vst v63  }
0x28: {  	s30 =	simm.s32 $0x0;
	s8 =	simm.s32 $0x1;
	s20 =	rddreg [dreg:$0x11]  }
0x29: {  	[tilespmem:s17], [sflag:$0x5] =	stream.linear.gather [hbm4b:s16+s3], $0x1000, $0x200038;
	[tilespmem:$0x16800] =	vst v63  }
0x2a: {  	s9 =	simm.s32 $0x1;
	s11 =	simm.s32 $0x1;
	s23 =	rddreg [dreg:$0x12]  }
0x2b: {  	[tilespmem:s19], [sflag:$0x7] =	stream.linear.gather [hbm4b:s18+s3], $0x1000, $0x200038;
	[tilespmem:$0x16800] =	vst v63  }
0x2c: {  	s10 =	simm.s32 $0x1;
	s25 =	rddreg [dreg:$0x13];
	s12 =	simm.s32 $0x0  }
0x2d: {  	[tilespmem:s21], [sflag:$0x9] =	stream.linear.gather [hbm4b:s20+s3], $0x1000, $0x200038;
	[tilespmem:$0x16800] =	vst v63  }
0x2e: {  	s13 =	simm.s32 $0x1;
	s15 =	simm.s32 $0x0;
	s17 =	simm.s32 $0x0  }
0x2f: {  	[tilespmem:s24], [sflag:$0xB] =	stream.linear.gather [hbm4b:s23+s3], $0x1000, $0x200038;
	[tilespmem:$0x16800] =	vst v63  }
0x30: {  	s19 =	simm.s32 $0x0;
	s21 =	simm.s32 $0x0;
	s23 =	simm.s32 $0x0  }
0x31: {  	[tilespmem:s29], [sflag:$0xD] =	stream.linear.gather [hbm4b:s25+s3], $0x1000, $0x200038;
	[tilespmem:$0x16800] =	vst v63  }
0x32: {  	s24 =	simm.s32 $0x0;
	s25 =	simm.s32 $0x0;
	_ =	strace $0x90000048  }
.LBB2_2:
0x33: {  	s0 =	sadd.s32 $0x1, s31  }
0x34: {  	p0 =	seq.s32 s0, $0x8  }
0x35: {  	s0 =	simm.s32 @p0 $0x0;
	p0 =	seq.s32 s21, $0x7  }
0x36: {  	p1 =	seq.s32 @!p0 s31, s0  }
0x37: {  	p1 =	por p0, p1  }
.Ltmp0:
0x38: {  	_ = 	snop;
	(pc) =	sbr.rel @p1 .LBB2_3-.Ltmp0, $2  }
0x39: {  	_ =	sdelay $0x2  }
0x3a: {  	[dreg:$0x16] =	wrdreg s6  }
0x3b: {  	s1 =	sadd.s32 s26, s0  }
0x3c: {  	_ =	strace $0x80000049;
	s2 =	sand.u32 $0x1, s13;
	s1 =	sshll.u32 s1, $0x9  }
0x3d: {  	s4 =	sshll.u32 s2, $0xC;
	s5 =	rddreg [dreg:$0x1];
	s1 =	sand.u32 $0x1FFFFE00, s1  }
0x3e: {  	s2 =	sadd.s32 $0x1, s2;
	s4 =	sor.u32 $0x800, s4;
	s5 =	sadd.s32 s5, s1  }
0x3f: {  	[tilespmem:s4], [sflag:s2] =	stream.linear.gather [hbm4b:s5+s3], $0x1000, $0x200038;
	[tilespmem:$0x16800] =	vst v63  }
0x40: {  	_ =	strace $0x90000049  }
0x41: {  	s18 =	sand.u32 $0x1, s11;
	_ =	strace $0x8000004A  }
0x42: {  	s20 =	sshll.u32 s18, $0xC;
	s29 =	rddreg [dreg:$0x4]  }
0x43: {  	s4 =	sor.u32 $0x2800, s20;
	s2 =	sadd.s32 $0x3, s18;
	s5 =	sadd.s32 s29, s1  }
0x44: {  	[tilespmem:s4], [sflag:s2] =	stream.linear.gather [hbm4b:s5+s3], $0x1000, $0x200038;
	[tilespmem:$0x16800] =	vst v63  }
0x45: {  	_ =	strace $0x9000004A  }
0x46: {  	s5 =	sand.u32 $0x1, s10;
	_ =	strace $0x8000004B  }
0x47: {  	s14 =	sshll.u32 s5, $0xC;
	s16 =	rddreg [dreg:$0x5]  }
0x48: {  	s2 =	sadd.s32 $0x5, s5;
	s4 =	sor.u32 $0x4800, s14;
	s5 =	sadd.s32 s16, s1  }
0x49: {  	[tilespmem:s4], [sflag:s2] =	stream.linear.gather [hbm4b:s5+s3], $0x1000, $0x200038;
	[tilespmem:$0x16800] =	vst v63  }
0x4a: {  	_ =	strace $0x9000004B  }
0x4b: {  	s18 =	sand.u32 $0x1, s9;
	_ =	strace $0x8000004C  }
0x4c: {  	s20 =	sshll.u32 s18, $0xC;
	s29 =	rddreg [dreg:$0x6]  }
0x4d: {  	s4 =	sor.u32 $0x6800, s20;
	s2 =	sadd.s32 $0x7, s18;
	s5 =	sadd.s32 s29, s1  }
0x4e: {  	[tilespmem:s4], [sflag:s2] =	stream.linear.gather [hbm4b:s5+s3], $0x1000, $0x200038;
	[tilespmem:$0x16800] =	vst v63  }
0x4f: {  	_ =	strace $0x9000004C  }
0x50: {  	s5 =	sand.u32 $0x1, s8;
	_ =	strace $0x8000004D  }
0x51: {  	s14 =	sshll.u32 s5, $0xC;
	s16 =	rddreg [dreg:$0x7]  }
0x52: {  	s2 =	sadd.s32 $0x9, s5;
	s4 =	sor.u32 $0x8800, s14;
	s5 =	sadd.s32 s16, s1  }
0x53: {  	[tilespmem:s4], [sflag:s2] =	stream.linear.gather [hbm4b:s5+s3], $0x1000, $0x200038;
	[tilespmem:$0x16800] =	vst v63  }
0x54: {  	_ =	strace $0x9000004D  }
0x55: {  	s18 =	sand.u32 $0x1, s7;
	_ =	strace $0x8000004E  }
0x56: {  	s20 =	sshll.u32 s18, $0xC;
	s29 =	rddreg [dreg:$0x8]  }
0x57: {  	s4 =	sor.u32 $0xA800, s20;
	s2 =	sadd.s32 $0xB, s18;
	s5 =	sadd.s32 s29, s1  }
0x58: {  	[tilespmem:s4], [sflag:s2] =	stream.linear.gather [hbm4b:s5+s3], $0x1000, $0x200038;
	[tilespmem:$0x16800] =	vst v63  }
0x59: {  	s4 =	sadd.s32 $0x1, s13  }
0x5a: {  	s5 =	sand.u32 $0x1, s6;
	s6 =	sadd.s32 $0x1, s11;
	[dreg:$0x1c] =	wrdreg s4  }
0x5b: {  	s14 =	sadd.s32 $0x1, s10;
	_ =	strace $0x9000004E;
	[dreg:$0x1b] =	wrdreg s6  }
0x5c: {  	s16 =	sadd.s32 $0x1, s9;
	_ =	strace $0x8000004F;
	[dreg:$0x1a] =	wrdreg s14  }
0x5d: {  	s18 =	sadd.s32 $0x1, s8;
	s20 =	sadd.s32 $0x1, s7;
	[dreg:$0x19] =	wrdreg s16  }
.Ltmp1:
0x5e: {  	s29 =	simm.s32 $0x1;
	[dreg:$0x18] =	wrdreg s18;
	(pc) =	sbr.rel .LBB2_5-.Ltmp1, $4  }
0x5f: {  	s11 =	sshll.u32 s5, $0xC;
	s2 =	sadd.s32 $0xD, s5;
	s13 =	rddreg [dreg:$0x9]  }
0x60: {  	s4 =	sor.u32 $0xC800, s11;
	[dreg:$0x17] =	wrdreg s20;
	s1 =	sadd.s32 s13, s1  }
0x61: {  	[tilespmem:s4], [sflag:s2] =	stream.linear.gather [hbm4b:s1+s3], $0x1000, $0x200038;
	[tilespmem:$0x16800] =	vst v63  }
0x62: {  	_ =	strace $0x9000004F;
	[dreg:$0x1d] =	wrdreg s29  }
.LBB2_3:
0x63: {  	s7 =	smov.u32 @p0 s7  }
0x64: {  	s9 =	smov.u32 @p0 s9;
	[dreg:$0x17] =	wrdreg s7  }
0x65: {  	s11 =	smov.u32 @p0 s11;
	[dreg:$0x19] =	wrdreg s9  }
0x66: {  	s13 =	smov.u32 @p0 s13;
	[dreg:$0x1b] =	wrdreg s11  }
0x67: {  	s10 =	smov.u32 @p0 s10;
	[dreg:$0x1c] =	wrdreg s13  }
0x68: {  	s1 =	simm.s32 $0x0;
	s8 =	smov.u32 @p0 s8;
	[dreg:$0x1a] =	wrdreg s10  }
0x69: {  	s1 =	simm.s32 @p0 $0x0;
	[dreg:$0x18] =	wrdreg s8  }
0x6a: {  	[dreg:$0x1d] =	wrdreg s1  }
.LBB2_5:
0x6b: {  	s1 =	sand.u32 $0x1, s19  }
0x6c: {  	_ =	strace $0x80000050;
	s2 =	sadd.s32 $0x1, s1  }
0x6d: {  	_ =	swait.ge [sflag:s2], $0x1000  }
0x6e: {  	[sflag:s2] =	ssyncset.done $0x0  }
0x6f: {  	[sflag:s2] =	ssyncadd.s32 $0xFFFFF000  }
0x70: {  	s13 =	sand.u32 $0x1, s17;
	_ =	strace $0x90000050  }
0x71: {  	s4 =	sadd.s32 $0x3, s13;
	_ =	strace $0x80000051  }
0x72: {  	_ =	swait.ge [sflag:s4], $0x1000  }
0x73: {  	[sflag:s4] =	ssyncset.done $0x0  }
0x74: {  	[sflag:s4] =	ssyncadd.s32 $0xFFFFF000  }
0x75: {  	s14 =	sand.u32 $0x1, s15;
	_ =	strace $0x90000051  }
0x76: {  	s5 =	sadd.s32 $0x5, s14;
	_ =	strace $0x80000052  }
0x77: {  	_ =	swait.ge [sflag:s5], $0x1000  }
0x78: {  	[sflag:s5] =	ssyncset.done $0x0  }
0x79: {  	[sflag:s5] =	ssyncadd.s32 $0xFFFFF000  }
0x7a: {  	s7 =	sand.u32 $0x1, s12;
	_ =	strace $0x90000052  }
0x7b: {  	s16 =	sadd.s32 $0x7, s7;
	_ =	strace $0x80000053  }
0x7c: {  	_ =	swait.ge [sflag:s16], $0x1000  }
0x7d: {  	[sflag:s16] =	ssyncset.done $0x0  }
0x7e: {  	[sflag:s16] =	ssyncadd.s32 $0xFFFFF000  }
0x7f: {  	s18 =	sand.u32 $0x1, s30;
	_ =	strace $0x90000053  }
0x80: {  	s6 =	sadd.s32 $0x9, s18;
	_ =	strace $0x80000054  }
0x81: {  	_ =	swait.ge [sflag:s6], $0x1000  }
0x82: {  	[sflag:s6] =	ssyncset.done $0x0  }
0x83: {  	[sflag:s6] =	ssyncadd.s32 $0xFFFFF000  }
0x84: {  	s20 =	sand.u32 $0x1, s28;
	_ =	strace $0x90000054  }
0x85: {  	s8 =	sadd.s32 $0xB, s20;
	_ =	strace $0x80000055  }
0x86: {  	_ =	swait.ge [sflag:s8], $0x1000  }
0x87: {  	[sflag:s8] =	ssyncset.done $0x0  }
0x88: {  	s1 =	sshll.u32 s1, $0xC;
	[sflag:s8] =	ssyncadd.s32 $0xFFFFF000  }
0x89: {  	s1 =	sor.u32 $0x820, s1;
	s8 =	sand.u32 $0x1, s25;
	_ =	strace $0x90000055  }
0x8a: {  	s5 =	sshll.u32 s18, $0xC;
	s9 =	sadd.s32 $0xD, s8;
	_ =	strace $0x80000056  }
0x8b: {  	v2 =	vmov s1;
	s5 =	sor.u32 $0x8820, s5;
	_ =	swait.ge [sflag:s9], $0x1000  }
0x8c: {  	v0 =	vmov s5;
	[sflag:s9] =	ssyncset.done $0x0  }
0x8d: {  	s2 =	sshll.u32 s13, $0xC;
	[sflag:s9] =	ssyncadd.s32 $0xFFFFF000  }
0x8e: {  	s2 =	sor.u32 $0x2820, s2;
	_ =	strace $0x90000056  }
0x8f: {  	v1 =	vmov s2;
	s5 =	simm.s32 $0x0;
	_ =	strace $0x80000057  }
0x90: {  	v3 =	vld.idx.msk [tilespmem:v2+s5+$0x10 ss:$0x1], $0xffff  }
0x91: {  	v4 =	vld.idx.msk [tilespmem:v0+s5+$0x10 ss:$0x1], $0xffff  }
0x92: {  	v7 =	vld.idx.msk [tilespmem:v2+s5+$0xFFFFFFF0 ss:$0x1], $0xffff  }
0x93: {  	v6 =	vld.idx.msk [tilespmem:v2+s5+$0xFFFFFFE0 ss:$0x1], $0xffff  }
0x94: {  	v8 =	vld.idx.msk [tilespmem:v1+s5+$0xFFFFFFF0 ss:$0x1], $0xffff  }
0x95: {  	v9 =	vld.idx.msk [tilespmem:v2+s5+$0x0 ss:$0x1], $0xffff  }
0x96: {  	v10 =	vld.idx.msk [tilespmem:v1+s5+$0x10 ss:$0x1], $0xffff  }
0x97: {  	v11 =	vld.idx.msk [tilespmem:v0+s5+$0xFFFFFFF0 ss:$0x1], $0xffff  }
0x98: {  	v15 =	vld.idx.msk [tilespmem:v3+s22+$0x0], $0xffff  }
0x99: {  	v16 =	vld.idx.msk [tilespmem:v3+s3+$0x0], $0xffff  }
0x9a: {  	v14 =	vld.idx.msk [tilespmem:v7+s22+$0x0], $0xffff  }
0x9b: {  	v20 =	vld.idx.msk [tilespmem:v7+s3+$0x0], $0xffff  }
0x9c: {  	s10 =	sshll.u32 s14, $0xC;
	v5 =	vld.idx.msk [tilespmem:v1+s5+$0x0 ss:$0x1], $0xffff  }
0x9d: {  	s14 =	sshll.u32 s20, $0xC;
	s13 =	sor.u32 $0x4820, s10;
	v12 =	vld.idx.msk [tilespmem:v0+s5+$0x0 ss:$0x1], $0xffff  }
0x9e: {  	s10 =	simm.s32 $0x0;
	s4 =	sor.u32 $0xA830, s14;
	s9 =	sand.u32 $0x1, s24;
	v18 =	vld.idx.msk [tilespmem:v9+s22+$0x0], $0xffff  }
0x9f: {  	s16 =	sand.u32 $0xF800, s10;
	s11 =	sshll.u32 s9, $0xE;
	v17 =	vld.idx.msk [tilespmem:v9+s3+$0x0], $0xffff;
	[dreg:$0x1e] =	wrdreg s9;
	v3 =	vmov s13;
	v7 =	vmul.f32 v10, v16;
	v9 =	vmul.f32 v4, v15  }
0xa0: {  	s18 =	simm.s32 $0x30;
	s6 =	sshrl.u32 s16, $0x2;
	s2 =	sadd.s32 $0xE800, s11;
	v22 =	vld.idx.msk [tilespmem:v6+s22+$0x0], $0xffff;
	v11 =	vmul.f32 v11, v14;
	v8 =	vmul.f32 v8, v20  }
0xa1: {  	s20 =	simm.s32 $0x10;
	s11 =	sand.u32 $0x70, s18;
	s6 =	sadd.s32 s6, s2;
	v21 =	vld.idx.msk [tilespmem:v6+s3+$0x0], $0xffff;
	v4 =	vmov s4;
	v7 =	vadd.f32 v9, v7  }
0xa2: {  	s14 =	sand.u32 $0x50, s20;
	s9 =	sadd.s32 s11, s6;
	v10 =	vld.idx.msk [tilespmem:v0+s5+$0xFFFFFFE0 ss:$0x1], $0xffff;
	v8 =	vadd.f32 v11, v8  }
0xa3: {  	s4 =	sadd.s32 s14, s6;
	v9 =	vld.idx.msk [tilespmem:v1+s5+$0xFFFFFFE0 ss:$0x1], $0xffff;
	[tilespmem:s9+$0x0] =	vst v7  }
0xa4: {  	[tilespmem:s4+$0x0] =	vst v8;
	v7 =	vld.idx.msk [tilespmem:v3+s5+$0x10 ss:$0x1], $0xffff  }
0xa5: {  	v6 =	vld.idx.msk [tilespmem:v3+s5+$0xFFFFFFF0 ss:$0x1], $0xffff  }
0xa6: {  	v12 =	vmul.f32 v12, v18;
	v5 =	vmul.f32 v5, v17;
	v8 =	vld.idx.msk [tilespmem:v4+s5+$0xFFFFFFE0 ss:$0x1], $0xffff  }
0xa7: {  	s4 =	simm.s32 $0x40;
	v19 =	vld.idx.msk [tilespmem:v4+s5+$0x0 ss:$0x1], $0xffff  }
0xa8: {  	v5 =	vadd.f32 v12, v5;
	v12 =	vld.idx.msk [tilespmem:v0+s4+$0xFFFFFFE0 ss:$0x1], $0xffff  }
0xa9: {  	v23 =	vld.idx.msk [tilespmem:v0+s4+$0x10 ss:$0x1], $0xffff  }
0xaa: {  	v24 =	vld.idx.msk [tilespmem:v1+s4+$0x0 ss:$0x1], $0xffff  }
0xab: {  	s1 =	simm.s32 $0x20;
	v25 =	vld.idx.msk [tilespmem:v2+s4+$0xFFFFFFE0 ss:$0x1], $0xffff  }
0xac: {  	s16 =	sand.u32 $0x60, s1;
	v26 =	vld.idx.msk [tilespmem:v1+s4+$0xFFFFFFF0 ss:$0x1], $0xffff  }
0xad: {  	s9 =	sadd.s32 s16, s6;
	v27 =	vld.idx.msk [tilespmem:v1+s4+$0x10 ss:$0x1], $0xffff  }
0xae: {  	[tilespmem:s9+$0x0] =	vst v5;
	v29 =	vld.idx.msk [tilespmem:v2+s4+$0x10 ss:$0x1], $0xffff  }
0xaf: {  	v11 =	vld.idx.msk [tilespmem:v3+s5+$0x0 ss:$0x1], $0xffff  }
0xb0: {  	v10 =	vmul.f32 v10, v22;
	v13 =	vld.idx.msk [tilespmem:v4+s5+$0xFFFFFFF0 ss:$0x1], $0xffff;
	v9 =	vmul.f32 v9, v21  }
0xb1: {  	s7 =	sshll.u32 s7, $0xC;
	s10 =	simm.s32 $0x0;
	v30 =	vld.idx.msk [tilespmem:v0+s4+$0xFFFFFFF0 ss:$0x1], $0xffff  }
0xb2: {  	s7 =	sor.u32 $0x6830, s7;
	s8 =	sshll.u32 s8, $0xC;
	s18 =	sand.u32 $0x40, s10;
	v51 =	vld.idx.msk [tilespmem:v0+s4+$0x0 ss:$0x1], $0xffff;
	v9 =	vadd.f32 v10, v9  }
0xb3: {  	s8 =	sor.u32 $0xC830, s8;
	s1 =	sadd.s32 s18, s6;
	v5 =	vmov s7;
	v31 =	vld.idx.msk [tilespmem:v2+s4+$0x0 ss:$0x1], $0xffff;
	v28 =	vmul.f32 v6, v20;
	v8 =	vmul.f32 v8, v14  }
0xb4: {  	v10 =	vld.idx.msk [tilespmem:v2+s4+$0xFFFFFFF0 ss:$0x1], $0xffff;
	v6 =	vmov s8;
	[tilespmem:s1+$0x0] =	vst v9  }
0xb5: {  	s7 =	sadd.s32 $0x80, s6;
	v11 =	vmul.f32 v11, v17;
	v13 =	vmul.f32 v13, v18;
	v8 =	vadd.f32 v8, v28;
	v34 =	vld.idx.msk [tilespmem:v3+s5+$0xFFFFFFE0 ss:$0x1], $0xffff  }
0xb6: {  	s13 =	sadd.s32 s14, s7;
	v9 =	vmul.f32 v7, v16;
	v7 =	vld.idx.msk [tilespmem:v29+s22+$0x0], $0xffff  }
0xb7: {  	v11 =	vadd.f32 v13, v11;
	[tilespmem:s13+$0x0] =	vst v8;
	v8 =	vld.idx.msk [tilespmem:v29+s3+$0x0], $0xffff  }
0xb8: {  	s20 =	sadd.s32 s16, s7;
	v32 =	vld.idx.msk [tilespmem:v5+s5+$0xFFFFFFE0 ss:$0x1], $0xffff  }
0xb9: {  	v13 =	vmul.f32 v19, v15;
	[tilespmem:s20+$0x0] =	vst v11;
	v11 =	vld.idx.msk [tilespmem:v4+s5+$0xFFFFFFD0 ss:$0x1], $0xffff  }
0xba: {  	v35 =	vld.idx.msk [tilespmem:v6+s5+$0xFFFFFFE0 ss:$0x1], $0xffff  }
0xbb: {  	v19 =	vadd.f32 v13, v9;
	v9 =	vld.idx.msk [tilespmem:v31+s22+$0x0], $0xffff  }
0xbc: {  	v33 =	vld.idx.msk [tilespmem:v6+s5+$0xFFFFFFF0 ss:$0x1], $0xffff  }
0xbd: {  	s9 =	sadd.s32 s11, s7;
	v13 =	vld.idx.msk [tilespmem:v10+s22+$0x0], $0xffff  }
0xbe: {  	[tilespmem:s9+$0x0] =	vst v19;
	v52 =	vmul.f32 v34, v21;
	v19 =	vmul.f32 v11, v22;
	v11 =	vld.idx.msk [tilespmem:v10+s3+$0x0], $0xffff  }
0xbf: {  	v10 =	vld.idx.msk [tilespmem:v31+s3+$0x0], $0xffff  }
0xc0: {  	v54 =	vld.idx.msk [tilespmem:v5+s5+$0xFFFFFFF0 ss:$0x1], $0xffff;
	v19 =	vadd.f32 v19, v52  }
0xc1: {  	s7 =	sadd.s32 s18, s7;
	s9 =	simm.s32 $0x400;
	v53 =	vld.idx.msk [tilespmem:v5+s5+$0x0 ss:$0x1], $0xffff  }
0xc2: {  	v55 =	vld.idx.msk [tilespmem:v6+s5+$0x0 ss:$0x1], $0xffff;
	s10 =	sand.u32 $0xF800, s9;
	v23 =	vmul.f32 v23, v7;
	[tilespmem:s7+$0x0] =	vst v19;
	v19 =	vmul.f32 v27, v8  }
0xc3: {  	s13 =	simm.s32 $0x70;
	v30 =	vmul.f32 v30, v13;
	s7 =	sshrl.u32 s10, $0x2;
	v56 =	vld.idx.msk [tilespmem:v5+s5+$0xFFFFFFD0 ss:$0x1], $0xffff;
	v26 =	vmul.f32 v26, v11  }
0xc4: {  	s20 =	simm.s32 $0x50;
	v28 =	vmul.f32 v51, v9;
	v36 =	vld.idx.msk [tilespmem:v6+s5+$0xFFFFFFD0 ss:$0x1], $0xffff;
	s8 =	sadd.s32 s7, s2;
	s5 =	sand.u32 $0x70, s13;
	v24 =	vmul.f32 v24, v10;
	v23 =	vadd.f32 v23, v19  }
0xc5: {  	s1 =	simm.s32 $0x60;
	v20 =	vmul.f32 v32, v20;
	v57 =	vmul.f32 v35, v14;
	v14 =	vld.idx.msk [tilespmem:v25+s22+$0x0], $0xffff;
	s10 =	sand.u32 $0x50, s20;
	s13 =	sadd.s32 s5, s8;
	v26 =	vadd.f32 v30, v26  }
0xc6: {  	v58 =	vmul.f32 v33, v18;
	v18 =	vld.idx.msk [tilespmem:v25+s3+$0x0], $0xffff;
	s20 =	sadd.s32 s10, s8;
	[tilespmem:s13+$0x0] =	vst v23;
	v23 =	vadd.f32 v28, v24;
	s13 =	sand.u32 $0x60, s1  }
0xc7: {  	v19 =	vld.idx.msk [tilespmem:v1+s4+$0xFFFFFFE0 ss:$0x1], $0xffff;
	[tilespmem:s20+$0x0] =	vst v26;
	s7 =	sadd.s32 s13, s8  }
0xc8: {  	v17 =	vmul.f32 v54, v17;
	v59 =	vadd.f32 v57, v20;
	v20 =	vld.idx.msk [tilespmem:v3+s4+$0x10 ss:$0x1], $0xffff;
	[tilespmem:s7+$0x0] =	vst v23;
	s7 =	sadd.s32 s26, s31  }
0xc9: {  	s6 =	sadd.s32 $0x100, s6;
	v60 =	vmul.f32 v53, v16;
	v15 =	vmul.f32 v55, v15;
	v16 =	vld.idx.msk [tilespmem:v3+s4+$0xFFFFFFF0 ss:$0x1], $0xffff;
	[dreg:$0x1f] =	wrdreg s7  }
0xca: {  	s14 =	sadd.s32 s14, s6;
	v63 =	vadd.f32 v58, v17;
	v61 =	vmul.f32 v56, v21;
	v62 =	vmul.f32 v36, v22;
	v21 =	vld.idx.msk [tilespmem:v4+s4+$0xFFFFFFE0 ss:$0x1], $0xffff  }
0xcb: {  	s29 =	simm.s32 $0x40;
	v15 =	vadd.f32 v15, v60;
	s20 =	sadd.s32 s18, s6;
	s26 =	sadd.s32 s16, s6;
	[tilespmem:s14+$0x0] =	vst v59;
	v23 =	vld.idx.msk [tilespmem:v3+s4+$0x0 ss:$0x1], $0xffff  }
0xcc: {  	s7 =	sadd.s32 s11, s6;
	s11 =	simm.s32 $0x200;
	v22 =	vld.idx.msk [tilespmem:v4+s4+$0xFFFFFFF0 ss:$0x1], $0xffff;
	v17 =	vadd.f32 v62, v61;
	[tilespmem:s26+$0x0] =	vst v63;
	s14 =	simm.s32 $0x40  }
.LBB2_6:
0xcd: {  	s18 =	sshra.s32 s11, $0x2;
	v24 =	vld.idx.msk [tilespmem:v4+s4+$0x0 ss:$0x1], $0xffff;
	[tilespmem:s7+$0x0] =	vst v15;
	v15 =	vmov v18;
	s16 =	smov.u32 s29;
	s29 =	sadd.s32 $0x40, s29  }
0xce: {  	v20 =	vmul.f32 v20, v8;
	v18 =	vld.idx.msk [tilespmem:v0+s18+$0xFFFFFFE0 ss:$0x1], $0xffff;
	p1 =	slt.u32 s29, $0xFC0;
	[tilespmem:s20+$0x0] =	vst v17  }
0xcf: {  	v12 =	vmul.f32 v12, v14;
	v19 =	vmul.f32 v19, v15;
	v17 =	vld.idx.msk [tilespmem:v0+s18+$0x10 ss:$0x1], $0xffff  }
0xd0: {  	v16 =	vmul.f32 v16, v11;
	v21 =	vmul.f32 v21, v13;
	v25 =	vld.idx.msk [tilespmem:v1+s18+$0x0 ss:$0x1], $0xffff  }
0xd1: {  	s20 =	sand.u32 $0x40, s14;
	s14 =	smov.u32 s29;
	v28 =	vadd.f32 v12, v19;
	v19 =	vmul.f32 v23, v10;
	v26 =	vld.idx.msk [tilespmem:v2+s18+$0xFFFFFFE0 ss:$0x1], $0xffff  }
0xd2: {  	s1 =	sadd.s32 $0x80, s8;
	s7 =	sadd.s32 s20, s8;
	v16 =	vadd.f32 v21, v16;
	v21 =	vmul.f32 v22, v9;
	v23 =	vld.idx.msk [tilespmem:v1+s18+$0xFFFFFFF0 ss:$0x1], $0xffff  }
0xd3: {  	v24 =	vmul.f32 v24, v7;
	v22 =	vld.idx.msk [tilespmem:v1+s18+$0x10 ss:$0x1], $0xffff;
	[tilespmem:s7+$0x0] =	vst v28;
	s7 =	sadd.s32 s10, s1  }
0xd4: {  	v12 =	vmov v18;
	v27 =	vld.idx.msk [tilespmem:v2+s18+$0x10 ss:$0x1], $0xffff;
	[tilespmem:s7+$0x0] =	vst v16;
	v16 =	vadd.f32 v21, v19  }
0xd5: {  	s7 =	sadd.s32 s13, s1;
	v19 =	vadd.f32 v24, v20;
	v18 =	vld.idx.msk [tilespmem:v0+s18+$0xFFFFFFF0 ss:$0x1], $0xffff  }
0xd6: {  	v20 =	vld.idx.msk [tilespmem:v0+s18+$0x0 ss:$0x1], $0xffff;
	[tilespmem:s7+$0x0] =	vst v16;
	s7 =	sadd.s32 s5, s1  }
0xd7: {  	v16 =	vld.idx.msk [tilespmem:v2+s18+$0x0 ss:$0x1], $0xffff;
	[tilespmem:s7+$0x0] =	vst v19  }
0xd8: {  	v19 =	vld.idx.msk [tilespmem:v2+s18+$0xFFFFFFF0 ss:$0x1], $0xffff  }
0xd9: {  	v21 =	vld.idx.msk [tilespmem:v5+s4+$0xFFFFFFE0 ss:$0x1], $0xffff  }
0xda: {  	v24 =	vld.idx.msk [tilespmem:v6+s4+$0xFFFFFFF0 ss:$0x1], $0xffff  }
0xdb: {  	v28 =	vld.idx.msk [tilespmem:v4+s4+$0xFFFFFFD0 ss:$0x1], $0xffff  }
0xdc: {  	v29 =	vld.idx.msk [tilespmem:v3+s4+$0xFFFFFFE0 ss:$0x1], $0xffff  }
0xdd: {  	v30 =	vld.idx.msk [tilespmem:v6+s4+$0xFFFFFFE0 ss:$0x1], $0xffff  }
0xde: {  	s9 =	sadd.s32 $0x400, s9;
	v31 =	vld.idx.msk [tilespmem:v27+s22+$0x0], $0xffff  }
0xdf: {  	v21 =	vmul.f32 v21, v11;
	v27 =	vld.idx.msk [tilespmem:v27+s3+$0x0], $0xffff  }
0xe0: {  	v24 =	vmul.f32 v24, v9;
	v9 =	vld.idx.msk [tilespmem:v16+s22+$0x0], $0xffff  }
0xe1: {  	v28 =	vmul.f32 v28, v14;
	v32 =	vld.idx.msk [tilespmem:v19+s22+$0x0], $0xffff  }
0xe2: {  	v11 =	vld.idx.msk [tilespmem:v19+s3+$0x0], $0xffff;
	v19 =	vmul.f32 v29, v15  }
0xe3: {  	v13 =	vmul.f32 v30, v13;
	v29 =	vld.idx.msk [tilespmem:v5+s4+$0x0 ss:$0x1], $0xffff  }
0xe4: {  	v16 =	vld.idx.msk [tilespmem:v16+s3+$0x0], $0xffff;
	v19 =	vadd.f32 v28, v19  }
0xe5: {  	s6 =	sadd.s32 $0x100, s8;
	s1 =	sadd.s32 s20, s1;
	v22 =	vmul.f32 v22, v27;
	v33 =	vadd.f32 v13, v21;
	v21 =	vld.idx.msk [tilespmem:v5+s4+$0xFFFFFFF0 ss:$0x1], $0xffff  }
0xe6: {  	s26 =	sadd.s32 s13, s6;
	s7 =	sand.u32 $0xF800, s9;
	v17 =	vmul.f32 v17, v31;
	[tilespmem:s1+$0x0] =	vst v19;
	s1 =	sadd.s32 s10, s6;
	v28 =	vld.idx.msk [tilespmem:v6+s4+$0x0 ss:$0x1], $0xffff  }
0xe7: {  	s8 =	sshrl.u32 s7, $0x2;
	s7 =	sadd.s32 s5, s6;
	v18 =	vmul.f32 v18, v32;
	s10 =	sadd.s32 $0x70, s16;
	v13 =	vmov v32;
	v30 =	vld.idx.msk [tilespmem:v5+s4+$0xFFFFFFD0 ss:$0x1], $0xffff;
	[tilespmem:s1+$0x0] =	vst v33  }
0xe8: {  	s20 =	sadd.s32 s20, s6;
	s8 =	sadd.s32 s8, s2;
	v17 =	vadd.f32 v17, v22;
	v23 =	vmul.f32 v23, v11;
	s5 =	sand.u32 $0x70, s10;
	v22 =	vld.idx.msk [tilespmem:v6+s4+$0xFFFFFFD0 ss:$0x1], $0xffff  }
0xe9: {  	v20 =	vmul.f32 v20, v9;
	s1 =	sadd.s32 $0x50, s16;
	s6 =	sadd.s32 s5, s8;
	v29 =	vmul.f32 v29, v8;
	v8 =	vmov v27;
	s4 =	smov.u32 s18;
	v19 =	vld.idx.msk [tilespmem:v1+s18+$0xFFFFFFE0 ss:$0x1], $0xffff  }
0xea: {  	s10 =	sand.u32 $0x50, s1;
	v23 =	vadd.f32 v18, v23;
	v25 =	vmul.f32 v25, v16;
	v27 =	vld.idx.msk [tilespmem:v26+s22+$0x0], $0xffff;
	[tilespmem:s6+$0x0] =	vst v17  }
0xeb: {  	s1 =	sadd.s32 s10, s8;
	s6 =	sadd.s32 $0x60, s16;
	v18 =	vld.idx.msk [tilespmem:v26+s3+$0x0], $0xffff  }
.Ltmp2:
0xec: {  	v17 =	vadd.f32 v20, v25;
	s13 =	sand.u32 $0x60, s6;
	[tilespmem:s1+$0x0] =	vst v23;
	v20 =	vld.idx.msk [tilespmem:v3+s4+$0x10 ss:$0x1], $0xffff;
	v23 =	vmul.f32 v21, v10;
	v10 =	vmov v16;
	(pc) =	sbr.rel @p1 .LBB2_6-.Ltmp2, $4  }
0xed: {  	s1 =	sadd.s32 s13, s8;
	v25 =	vmul.f32 v30, v15;
	v15 =	vmul.f32 v28, v7;
	v7 =	vmov v31;
	v16 =	vld.idx.msk [tilespmem:v3+s4+$0xFFFFFFF0 ss:$0x1], $0xffff  }
0xee: {  	v26 =	vmul.f32 v22, v14;
	v21 =	vld.idx.msk [tilespmem:v4+s4+$0xFFFFFFE0 ss:$0x1], $0xffff;
	[tilespmem:s1+$0x0] =	vst v17;
	v24 =	vadd.f32 v24, v23  }
0xef: {  	v15 =	vadd.f32 v15, v29;
	v23 =	vld.idx.msk [tilespmem:v3+s4+$0x0 ss:$0x1], $0xffff  }
0xf0: {  	s11 =	sadd.s32 $0x100, s11;
	v17 =	vadd.f32 v26, v25;
	v14 =	vmov v27;
	v22 =	vld.idx.msk [tilespmem:v4+s4+$0xFFFFFFF0 ss:$0x1], $0xffff;
	[tilespmem:s26+$0x0] =	vst v24  }
0xf1: {  	_ = 	snop  }
0xf2: {  	v0 =	vmul.f32 v19, v18;
	v1 =	vmul.f32 v12, v14;
	_ =	sdelay $0x1  }
0xf3: {  	s1 =	sand.u32 $0x40, s14;
	v0 =	vadd.f32 v1, v0  }
0xf4: {  	v46 =	vld.idx.msk [tilespmem:v4+s4+$0x0 ss:$0x1], $0xffff;
	s6 =	sadd.s32 s1, s8  }
0xf5: {  	[tilespmem:s6+$0x0] =	vst v0  }
0xf6: {  	v47 =	vmul.f32 v16, v11;
	v2 =	vmul.f32 v21, v13;
	v48 =	vld.idx.msk [tilespmem:v4+s4+$0xFFFFFFD0 ss:$0x1], $0xffff  }
0xf7: {  	v3 =	vld.idx.msk [tilespmem:v3+s4+$0xFFFFFFE0 ss:$0x1], $0xffff  }
0xf8: {  	s26 =	sadd.s32 $0x80, s8;
	v49 =	vmul.f32 v23, v10;
	v50 =	vmul.f32 v22, v9;
	v0 =	vadd.f32 v2, v47  }
0xf9: {  	v51 =	vmul.f32 v20, v8;
	s9 =	sadd.s32 s10, s26;
	v1 =	vmul.f32 v46, v7  }
0xfa: {  	v12 =	vadd.f32 v50, v49;
	[tilespmem:s9+$0x0] =	vst v0  }
0xfb: {  	s29 =	sadd.s32 s13, s26;
	v52 =	vadd.f32 v1, v51;
	v53 =	vld.idx.msk [tilespmem:v5+s4+$0xFFFFFFE0 ss:$0x1], $0xffff  }
0xfc: {  	v55 =	vld.idx.msk [tilespmem:v6+s4+$0xFFFFFFE0 ss:$0x1], $0xffff;
	[tilespmem:s29+$0x0] =	vst v12;
	v4 =	vmul.f32 v48, v14;
	v3 =	vmul.f32 v3, v18  }
0xfd: {  	s11 =	sadd.s32 s5, s26;
	v54 =	vld.idx.msk [tilespmem:v6+s4+$0xFFFFFFF0 ss:$0x1], $0xffff  }
0xfe: {  	[tilespmem:s11+$0x0] =	vst v52;
	v57 =	vld.idx.msk [tilespmem:v5+s4+$0xFFFFFFF0 ss:$0x1], $0xffff;
	v3 =	vadd.f32 v4, v3  }
0xff: {  	s6 =	sadd.s32 s1, s26;
	v56 =	vld.idx.msk [tilespmem:v5+s4+$0x0 ss:$0x1], $0xffff  }
0x100: {  	v58 =	vld.idx.msk [tilespmem:v6+s4+$0x0 ss:$0x1], $0xffff;
	[tilespmem:s6+$0x0] =	vst v3  }
0x101: {  	v59 =	vld.idx.msk [tilespmem:v5+s4+$0xFFFFFFD0 ss:$0x1], $0xffff  }
0x102: {  	v60 =	vld.idx.msk [tilespmem:v6+s4+$0xFFFFFFD0 ss:$0x1], $0xffff;
	_ =	sdelay $0x1  }
0x103: {  	v1 =	vmul.f32 v53, v11;
	v0 =	vmul.f32 v55, v13  }
0x104: {  	v2 =	vmul.f32 v54, v9;
	v4 =	vmul.f32 v57, v10  }
0x105: {  	[tilespmem:s7+$0x0] =	vst v15;
	s14 =	sadd.s32 $0x100, s8;
	v0 =	vadd.f32 v0, v1;
	v61 =	vmul.f32 v56, v8;
	v3 =	vmul.f32 v58, v7  }
0x106: {  	[tilespmem:s20+$0x0] =	vst v17;
	s16 =	sadd.s32 s10, s14;
	v2 =	vadd.f32 v2, v4;
	v5 =	vmul.f32 v59, v18;
	v6 =	vmul.f32 v60, v14  }
0x107: {  	s18 =	sadd.s32 s13, s14;
	[tilespmem:s16+$0x0] =	vst v0;
	v62 =	vadd.f32 v3, v61  }
0x108: {  	s20 =	sadd.s32 s5, s14;
	[tilespmem:s18+$0x0] =	vst v2;
	v63 =	vadd.f32 v6, v5  }
0x109: {  	s1 =	sadd.s32 s1, s14;
	[tilespmem:s20+$0x0] =	vst v62  }
0x10a: {  	p1 =	sne.s32 s31, s0;
	[tilespmem:s1+$0x0] =	vst v63  }
0x10b: {  	p0 =	por p0, p1;
	_ =	strace $0x90000057  }
0x10c: {  	s1 =	rddreg [dreg:$0x1f];
	_ =	strace @p0 $0x80000058  }
0x10d: {  	s1 =	sshll.u32 @p0 s1, $0xB;
	s4 =	rddreg [dreg:$0x1e]  }
0x10e: {  	p1 =	seq.s32 s21, $0x0;
	s5 =	rddreg [dreg:$0x2];
	s1 =	sand.u32 @p0 $0x1FFFF800, s1  }
0x10f: {  	s4 =	sadd.s32 @p0 $0xF, s4;
	s1 =	sadd.s32 @p0 s5, s1;
	s5 =	simm.s32 @p0 $0x0  }
0x110: {  	[hbm4b:s1+s5] =	stream.linear.scatter @p0 [tilespmem:s2], [sflag:s4], $0x4000, $0x200038;
	[tilespmem:$0x16800] =	vst v63  }
0x111: {  	s1 =	sand.u32 @!p1 $0x1, s23;
	_ =	strace @p0 $0x90000058  }
0x112: {  	s1 =	sadd.s32 @!p1 $0xF, s1;
	_ =	strace @!p1 $0x80000059  }
0x113: {  	s31 =	smov.u32 s0;
	_ =	swait.ge @!p1 [sflag:s1], $0x4000  }
0x114: {  	s2 =	simm.s32 $0x1;
	s4 =	simm.s32 $0x1;
	[sflag:s1] =	ssyncset.done @!p1 $0x0  }
0x115: {  	s2 =	simm.s32 @!p0 $0x0;
	s26 =	rddreg [dreg:$0x16];
	[sflag:s1] =	ssyncadd.s32 @!p1 $0xFFFFC000  }
0x116: {  	p0 =	sne.s32 s21, $0x0;
	s29 =	rddreg [dreg:$0x1d];
	_ =	strace @!p1 $0x90000059  }
0x117: {  	s21 =	sadd.s32 $0x1, s21;
	s6 =	sadd.s32 s26, s29;
	s26 =	rddreg [dreg:$0xc]  }
0x118: {  	s4 =	simm.s32 @!p0 $0x0;
	p0 =	sne.s32 s21, $0x8;
	s7 =	rddreg [dreg:$0x17]  }
.Ltmp3:
0x119: {  	s24 =	sadd.s32 s2, s24;
	s8 =	rddreg [dreg:$0x18];
	(pc) =	sbr.rel @p0 .LBB2_2-.Ltmp3, $4  }
0x11a: {  	s19 =	sadd.s32 s2, s19;
	s17 =	sadd.s32 s2, s17;
	s9 =	rddreg [dreg:$0x19]  }
0x11b: {  	s15 =	sadd.s32 s2, s15;
	s12 =	sadd.s32 s2, s12;
	s10 =	rddreg [dreg:$0x1a]  }
0x11c: {  	s30 =	sadd.s32 s2, s30;
	s28 =	sadd.s32 s2, s28;
	s11 =	rddreg [dreg:$0x1b]  }
0x11d: {  	s25 =	sadd.s32 s2, s25;
	s23 =	sadd.s32 s4, s23;
	s13 =	rddreg [dreg:$0x1c]  }
0x11e: {  	_ =	strace $0x8000005A;
	s0 =	simm.s32 $0x10  }
0x11f: {  	_ =	swait.ge [sflag:s0], $0x4000  }
0x120: {  	s1 =	rddreg [dreg:$0x15]  }
0x121: {  	s31 =	rddreg [dreg:$0x14];
	s1 =	sadd.s32 $0x1, s1  }
0x122: {  	p0 =	sne.s32 s1, s31  }
.Ltmp4:
0x123: {  	_ = 	snop;
	(pc) =	sbr.rel @p0 .LBB2_1-.Ltmp4, $4  }
0x124: {  	_ = 	snop  }
0x125: {  	[sflag:s0] =	ssyncset.done $0x0  }
0x126: {  	[sflag:s0] =	ssyncadd.s32 $0xFFFFC000  }
0x127: {  	_ =	strace $0x9000005A  }
0x128: {  	_ =	sfence.sel $0x180000  }
0x129: {  	[bflag:$0x0] =	sbarrier.arrive $0xFFFF  }
0x12a: {  	_ =	strace $0x90000047  }
0x12b: {  	s0 =	stileid.u32;
	[bflag:$0x2] =	sbarrier.arrive $0xFFFF  }
0x12c: {  	p0 =	sne.s32 s0, $0x0;
	s0 =	rddreg [dreg:$0x3]  }
0x12d: {  	s0 =	sadd.s32 @!p0 $0x100000, s0  }
0x12e: {  	[sflag:s0] =	ssyncadd.tile.s32 @!p0 $0x1;
	_ =	shalt  }
.Lfunc_end2:
_tile_overlayer_lowered:
.L_overlay_start_2:
0x12f: {  	(tag) =	ssettag $0x2  }
0x130: {  	s0 =	rddreg [dreg:$0x0];
	s2 =	stileid.u32  }
0x131: {  	s1 =	rddreg [dreg:$0x1];
	p0 =	sne.s32 s2, $0x0  }
0x132: {  	s3 =	rddreg [dreg:$0x2];
	[bflag:$0x3] =	sbarrier.arrive $0xFFFF;
	s2 =	simm.s32 @!p0 $0x1C01  }
0x133: {  	[timem:s3], [sflag:s2] =	dma.local @!p0 [hbm:s0], s1  }
0x134: {  	s0 =	simm.s32 @!p0 $0x1  }
0x135: {  	_ =	swait.ge @!p0 [sflag:s0], s1  }
0x136: {  	s1 =	ssub.s32 @!p0 $0x0, s1;
	[sflag:s0] =	ssyncset.done @!p0 $0x0  }
0x137: {  	[sflag:s0] =	ssyncadd.s32 @!p0 s1  }
0x138: {  	[bflag:$0x3] =	sbarrier.arrive $0xFFFF  }
0x139: {  	_ =	shalt  }

</sc_bundles>
